<compile_context>
chip_gen: v7x
topology: tpu7x:2x2x1
jax: 0.10.2.dev20260603
libtpu: 0.0.44.dev20260713+nightly
codegen_flags: <defaults>
</compile_context>

<pallas_src>
import functools

import jax
import jax.numpy as jnp
from jax import lax
from jax.experimental import pallas as pl
from jax.experimental.pallas import tpu as pltpu
from jax.experimental.pallas import tpu_sc as plsc

D = 64
MAXLEN = 200
G = 128
NBUF = 4
HALF = 2
NC = 2
NS = 16
NW = NC * NS


def _build(B):
    npg = B // (NW * G)
    gpi = NBUF * HALF
    mesh = plsc.VectorSubcoreMesh(
        core_axis_name="c", subcore_axis_name="s", num_cores=NC, num_subcores=NS
    )

    @functools.partial(
        pl.kernel,
        mesh=mesh,
        out_type=jax.ShapeDtypeStruct((B, D), jnp.float32),
        scratch_types=[
            pltpu.VMEM((npg, G), jnp.int32),
            pltpu.VMEM((npg, G), jnp.int32),
            pltpu.VMEM((gpi, G, D), jnp.float32),
            pltpu.VMEM_SHARED((MAXLEN, D), jnp.float32),
            pltpu.SemaphoreType.DMA,
            pltpu.SemaphoreType.DMA,
            pltpu.SemaphoreType.DMA,
            pltpu.SemaphoreType.DMA,
            pltpu.SemaphoreType.DMA,
        ],
        compiler_params=pltpu.CompilerParams(use_tc_tiling_on_sc=False),
    )
    def emb(ids_hbm, pids_hbm, word_hbm, pos_hbm, out_hbm,
            idxw, idxp, rows, pos_sh, semp0, semp1, semw, semo0, semo1):
        semp = (semp0, semp1)
        semo = (semo0, semo1)
        nhb = npg // NBUF
        wid = lax.axis_index("s") * NC + lax.axis_index("c")

        @pl.when(lax.axis_index("s") == 0)
        def _():
            pltpu.sync_copy(pos_hbm, pos_sh)

        pltpu.sync_copy(ids_hbm.at[pl.ds(wid * npg, npg)], idxw)
        pltpu.sync_copy(pids_hbm.at[pl.ds(wid * npg, npg)], idxp)
        plsc.subcore_barrier()
        base = wid * npg

        def issue_pos(kb, h):
            for s in range(NBUF):
                pltpu.async_copy(
                    pos_sh.at[idxp.at[kb * NBUF + s]],
                    rows.at[h * NBUF + s],
                    semp[h],
                )

        PROBE_NO_POS = True
        if not PROBE_NO_POS:
            issue_pos(0, 0)

        def body(jj, carry):
            for h in range(HALF):
                hn = 1 - h
                kb = jj * HALF + h

                @pl.when(kb > 0)
                def _():
                    for s in range(NBUF):
                        pltpu.make_async_copy(
                            rows.at[hn * NBUF + s],
                            out_hbm.at[pl.ds(0, G)],
                            semo[hn],
                        ).wait()

                if not PROBE_NO_POS:
                    @pl.when(kb + 1 < nhb)
                    def _():
                        issue_pos(kb + 1, hn)

                    for s in range(NBUF):
                        pltpu.make_async_copy(
                            pos_sh.at[idxp.at[0]],
                            rows.at[h * NBUF + s],
                            semp[h],
                        ).wait()
                wcs = [
                    pltpu.async_copy(
                        word_hbm.at[idxw.at[kb * NBUF + s]],
                        rows.at[h * NBUF + s],
                        semw,
                        add=False,
                    )
                    for s in range(NBUF)
                ]
                for s in range(NBUF):
                    wcs[s].wait()
                for s in range(NBUF):
                    pltpu.async_copy(
                        rows.at[h * NBUF + s],
                        out_hbm.at[pl.ds((base + kb * NBUF + s) * G, G)],
                        semo[h],
                    )
            return carry

        lax.fori_loop(0, nhb // HALF, body, 0)
        for s in range(NBUF):
            pltpu.make_async_copy(
                rows.at[NBUF + s], out_hbm.at[pl.ds(0, G)], semo[1]
            ).wait()

    return emb


def kernel(input_ids, pos_ids, word_table, pos_table):
    batch, seq_len = input_ids.shape
    B = batch * seq_len
    ids = input_ids.reshape(B // G, G).astype(jnp.int32)
    pids = pos_ids.reshape(B // G, G).astype(jnp.int32)
    out = _build(B)(ids, pids, word_table, pos_table)
    return out.reshape(batch, seq_len, D)

# --- scband reference (transcript-rebuilt; emitter-appended) ---
"""Pipeline reference for scband-embedding-layer-64819646431784 (READ-ONLY COPY).

The authoritative reference and input builder live on the scoring server;
editing this copy changes nothing except your own understanding.
"""

import jax, jax.numpy as jnp
import numpy as np

VOCAB_SIZE = 100000
MAX_LEN = 200
EMBED_SIZE = 64
BATCH = 4096
SEQ_LEN = 200


def setup_inputs(seed: int = 0) -> dict:
    key = jax.random.key(seed)
    k1, k2, k3, k4 = jax.random.split(key, 4)
    input_ids = jax.random.randint(k1, (BATCH, SEQ_LEN), 0, VOCAB_SIZE, dtype=jnp.int64 if jax.config.jax_enable_x64 else jnp.int32)
    pos_ids = jax.random.randint(k2, (BATCH, SEQ_LEN), 0, MAX_LEN, dtype=jnp.int64 if jax.config.jax_enable_x64 else jnp.int32)
    word_table = jax.random.normal(k3, (VOCAB_SIZE, EMBED_SIZE), dtype=jnp.float32)
    pos_table = jax.random.normal(k4, (MAX_LEN, EMBED_SIZE), dtype=jnp.float32)
    return {"input_ids": input_ids, "pos_ids": pos_ids, "word_table": word_table, "pos_table": pos_table}


def reference(input_ids, pos_ids, word_table, pos_table):
    # word_embed: gather rows from word embedding table
    word_embed = jnp.take(word_table, input_ids, axis=0)
    # pos_embed: gather rows from positional embedding table
    pos_embed = jnp.take(pos_table, pos_ids, axis=0)
    return word_embed + pos_embed

if __name__ == "__main__":
    import jax
    _d = setup_inputs()
    print(jax.jit(kernel)(*tuple(_d.values())))

</pallas_src>

<mosaic_0001>
#map = affine_map<(d0, d1) -> (0, 0)>
module attributes {stable_mosaic.version = 14 : i64} {
  func.func @emb(%arg0: i32, %arg1: i32, %arg2: memref<6400x128xi32, #tpu.memory_space<hbm>>, %arg3: memref<6400x128xi32, #tpu.memory_space<hbm>>, %arg4: memref<100000x64xf32, #tpu.memory_space<hbm>>, %arg5: memref<200x64xf32, #tpu.memory_space<hbm>>, %arg6: memref<819200x64xf32, #tpu.memory_space<hbm>>, %arg7: memref<200x128xi32, #tpu.memory_space<vmem>>, %arg8: memref<200x128xi32, #tpu.memory_space<vmem>>, %arg9: memref<8x128x64xf32, #tpu.memory_space<vmem>>, %arg10: memref<200x64xf32, #tpu.memory_space<vmem_shared>>, %arg11: memref<!tpu.dma_semaphore, #tpu.memory_space<semaphore_mem>>, %arg12: memref<!tpu.dma_semaphore, #tpu.memory_space<semaphore_mem>>, %arg13: memref<!tpu.dma_semaphore, #tpu.memory_space<semaphore_mem>>, %arg14: memref<!tpu.dma_semaphore, #tpu.memory_space<semaphore_mem>>, %arg15: memref<!tpu.dma_semaphore, #tpu.memory_space<semaphore_mem>>) attributes {dimension_semantics = [#tpu.dimension_semantics<core_parallel>, #tpu.dimension_semantics<subcore_parallel>], iteration_bounds = array<i64: 2, 16>, scalar_prefetch = 0 : i64, scratch_operands = 9 : i64, tpu.core_type = #tpu.core_type<sc_vector_subcore>, window_params = [{transform_indices = #map}, {transform_indices = #map}, {transform_indices = #map}, {transform_indices = #map}, {transform_indices = #map}]} {
    %mul3A = arith.constant 2 : i32
    %mul3A_0 = arith.muli %arg1, %mul3A : i32
    %add3A = arith.addi %mul3A_0, %arg0 : i32
    %eq3A = arith.constant 0 : i32
    %eq3A_1 = arith.cmpi eq, %arg1, %eq3A : i32
    %convert_element_type3A = arith.extui %eq3A_1 : i1 to i32
    %cond3A = arith.constant 0 : i32
    %cond3A_2 = arith.cmpi ne, %convert_element_type3A, %cond3A : i32
    scf.if %cond3A_2 {
      "tpu.region"() ({
        %run_scoped3A = tpu.sem_alloc : memref<!tpu.dma_semaphore, #tpu.memory_space<semaphore_mem>>
        tpu.enqueue_dma source(%arg5 : memref<200x64xf32, #tpu.memory_space<hbm>>) target(%arg10 : memref<200x64xf32, #tpu.memory_space<vmem_shared>>) target_semaphore(%run_scoped3A : memref<!tpu.dma_semaphore, #tpu.memory_space<semaphore_mem>>)
        tpu.wait_dma2 semaphore(%run_scoped3A : memref<!tpu.dma_semaphore, #tpu.memory_space<semaphore_mem>>) src(%arg5 : memref<200x64xf32, #tpu.memory_space<hbm>>) dst(%arg10 : memref<200x64xf32, #tpu.memory_space<vmem_shared>>)
        tpu.yield
      }) : () -> ()
    } else {
    }
    %mul3A_3 = arith.constant 200 : i32
    %mul3A_4 = arith.muli %add3A, %mul3A_3 : i32
    "tpu.region"() ({
      %run_scoped3A = tpu.sem_alloc : memref<!tpu.dma_semaphore, #tpu.memory_space<semaphore_mem>>
      %dma_start3A = arith.constant 0 : i32
      %dma_start3A_73 = tpu.memref_slice %arg2[%mul3A_4, %dma_start3A] : memref<6400x128xi32, #tpu.memory_space<hbm>> -> memref<200x128xi32, #tpu.memory_space<hbm>>
      %dma_start3A_74 = arith.constant 0 : i32
      %dma_start3A_75 = tpu.memref_slice %arg2[%mul3A_4, %dma_start3A_74] : memref<6400x128xi32, #tpu.memory_space<hbm>> -> memref<200x128xi32, #tpu.memory_space<hbm>>
      tpu.enqueue_dma source(%dma_start3A_75 : memref<200x128xi32, #tpu.memory_space<hbm>>) target(%arg7 : memref<200x128xi32, #tpu.memory_space<vmem>>) target_semaphore(%run_scoped3A : memref<!tpu.dma_semaphore, #tpu.memory_space<semaphore_mem>>)
      %dma_wait3A_76 = arith.constant 0 : i32
      %dma_wait3A_77 = tpu.memref_slice %arg2[%mul3A_4, %dma_wait3A_76] : memref<6400x128xi32, #tpu.memory_space<hbm>> -> memref<200x128xi32, #tpu.memory_space<hbm>>
      %dma_wait3A_78 = arith.constant 0 : i32
      %dma_wait3A_79 = tpu.memref_slice %arg2[%mul3A_4, %dma_wait3A_78] : memref<6400x128xi32, #tpu.memory_space<hbm>> -> memref<200x128xi32, #tpu.memory_space<hbm>>
      tpu.wait_dma2 semaphore(%run_scoped3A : memref<!tpu.dma_semaphore, #tpu.memory_space<semaphore_mem>>) src(%dma_wait3A_79 : memref<200x128xi32, #tpu.memory_space<hbm>>) dst(%arg7 : memref<200x128xi32, #tpu.memory_space<vmem>>)
      tpu.yield
    }) : () -> ()
    %mul3A_5 = arith.constant 200 : i32
    %mul3A_6 = arith.muli %add3A, %mul3A_5 : i32
    "tpu.region"() ({
      %run_scoped3A = tpu.sem_alloc : memref<!tpu.dma_semaphore, #tpu.memory_space<semaphore_mem>>
      %dma_start3A = arith.constant 0 : i32
      %dma_start3A_73 = tpu.memref_slice %arg3[%mul3A_6, %dma_start3A] : memref<6400x128xi32, #tpu.memory_space<hbm>> -> memref<200x128xi32, #tpu.memory_space<hbm>>
      %dma_start3A_74 = arith.constant 0 : i32
      %dma_start3A_75 = tpu.memref_slice %arg3[%mul3A_6, %dma_start3A_74] : memref<6400x128xi32, #tpu.memory_space<hbm>> -> memref<200x128xi32, #tpu.memory_space<hbm>>
      tpu.enqueue_dma source(%dma_start3A_75 : memref<200x128xi32, #tpu.memory_space<hbm>>) target(%arg8 : memref<200x128xi32, #tpu.memory_space<vmem>>) target_semaphore(%run_scoped3A : memref<!tpu.dma_semaphore, #tpu.memory_space<semaphore_mem>>)
      %dma_wait3A_76 = arith.constant 0 : i32
      %dma_wait3A_77 = tpu.memref_slice %arg3[%mul3A_6, %dma_wait3A_76] : memref<6400x128xi32, #tpu.memory_space<hbm>> -> memref<200x128xi32, #tpu.memory_space<hbm>>
      %dma_wait3A_78 = arith.constant 0 : i32
      %dma_wait3A_79 = tpu.memref_slice %arg3[%mul3A_6, %dma_wait3A_78] : memref<6400x128xi32, #tpu.memory_space<hbm>> -> memref<200x128xi32, #tpu.memory_space<hbm>>
      tpu.wait_dma2 semaphore(%run_scoped3A : memref<!tpu.dma_semaphore, #tpu.memory_space<semaphore_mem>>) src(%dma_wait3A_79 : memref<200x128xi32, #tpu.memory_space<hbm>>) dst(%arg8 : memref<200x128xi32, #tpu.memory_space<vmem>>)
      tpu.yield
    }) : () -> ()
    %barrier3A = arith.constant 0 : index
    tpu.barrier barrier_id(%barrier3A)
    %mul3A_7 = arith.constant 200 : i32
    %mul3A_8 = arith.muli %add3A, %mul3A_7 : i32
    %scan3A = arith.constant 0 : i32
    %scan3A_9 = arith.constant 0 : i32
    %scan3A_10 = arith.constant 25 : i32
    %scan3A_11 = arith.addi %scan3A_9, %scan3A_10 : i32
    %scan3A_12 = arith.constant 1 : i32
    scf.for %scan3A_73 = %scan3A_9 to %scan3A_11 step %scan3A_12  : i32 {
      %mul3A_74 = arith.constant 2 : i32
      %mul3A_75 = arith.muli %scan3A_73, %mul3A_74 : i32
      %add3A_76 = arith.constant 0 : i32
      %add3A_77 = arith.addi %mul3A_75, %add3A_76 : i32
      %gt3A = arith.constant 0 : i32
      %gt3A_78 = arith.cmpi sgt, %add3A_77, %gt3A : i32
      %convert_element_type3A_79 = arith.extui %gt3A_78 : i1 to i32
      %cond3A_80 = arith.constant 0 : i32
      %cond3A_81 = arith.cmpi ne, %convert_element_type3A_79, %cond3A_80 : i32
      scf.if %cond3A_81 {
        %dma_wait3A_458 = arith.constant 4 : i32
        %dma_wait3A_459 = arith.constant 0 : i32
        %dma_wait3A_460 = arith.constant 0 : i32
        %dma_wait3A_461 = tpu.memref_slice %arg9[%dma_wait3A_458, %dma_wait3A_459, %dma_wait3A_460] : memref<8x128x64xf32, #tpu.memory_space<vmem>> -> memref<1x128x64xf32, #tpu.memory_space<vmem>>
        %dma_wait3A_462 = tpu.memref_squeeze %dma_wait3A_461 : memref<1x128x64xf32, #tpu.memory_space<vmem>> -> memref<128x64xf32, #tpu.memory_space<vmem>>
        %dma_wait3A_463 = arith.constant 0 : i32
        %dma_wait3A_464 = arith.constant 0 : i32
        %dma_wait3A_465 = tpu.memref_slice %arg6[%dma_wait3A_463, %dma_wait3A_464] : memref<819200x64xf32, #tpu.memory_space<hbm>> -> memref<128x64xf32, #tpu.memory_space<hbm>>
        %dma_wait3A_466 = arith.constant 0 : i32
        %dma_wait3A_467 = arith.constant 0 : i32
        %dma_wait3A_468 = tpu.memref_slice %arg6[%dma_wait3A_466, %dma_wait3A_467] : memref<819200x64xf32, #tpu.memory_space<hbm>> -> memref<128x64xf32, #tpu.memory_space<hbm>>
        %dma_wait3A_469 = arith.constant 0 : i32
        %dma_wait3A_470 = arith.constant 0 : i32
        %dma_wait3A_471 = tpu.memref_slice %arg9[%dma_wait3A_458, %dma_wait3A_469, %dma_wait3A_470] : memref<8x128x64xf32, #tpu.memory_space<vmem>> -> memref<1x128x64xf32, #tpu.memory_space<vmem>>
        %dma_wait3A_472 = tpu.memref_squeeze %dma_wait3A_471 : memref<1x128x64xf32, #tpu.memory_space<vmem>> -> memref<128x64xf32, #tpu.memory_space<vmem>>
        tpu.wait_dma2 semaphore(%arg15 : memref<!tpu.dma_semaphore, #tpu.memory_space<semaphore_mem>>) src(%dma_wait3A_472 : memref<128x64xf32, #tpu.memory_space<vmem>>) dst(%dma_wait3A_468 : memref<128x64xf32, #tpu.memory_space<hbm>>)
        %dma_wait3A_473 = arith.constant 5 : i32
        %dma_wait3A_474 = arith.constant 0 : i32
        %dma_wait3A_475 = arith.constant 0 : i32
        %dma_wait3A_476 = tpu.memref_slice %arg9[%dma_wait3A_473, %dma_wait3A_474, %dma_wait3A_475] : memref<8x128x64xf32, #tpu.memory_space<vmem>> -> memref<1x128x64xf32, #tpu.memory_space<vmem>>
        %dma_wait3A_477 = tpu.memref_squeeze %dma_wait3A_476 : memref<1x128x64xf32, #tpu.memory_space<vmem>> -> memref<128x64xf32, #tpu.memory_space<vmem>>
        %dma_wait3A_478 = arith.constant 0 : i32
        %dma_wait3A_479 = arith.constant 0 : i32
        %dma_wait3A_480 = tpu.memref_slice %arg6[%dma_wait3A_478, %dma_wait3A_479] : memref<819200x64xf32, #tpu.memory_space<hbm>> -> memref<128x64xf32, #tpu.memory_space<hbm>>
        %dma_wait3A_481 = arith.constant 0 : i32
        %dma_wait3A_482 = arith.constant 0 : i32
        %dma_wait3A_483 = tpu.memref_slice %arg6[%dma_wait3A_481, %dma_wait3A_482] : memref<819200x64xf32, #tpu.memory_space<hbm>> -> memref<128x64xf32, #tpu.memory_space<hbm>>
        %dma_wait3A_484 = arith.constant 0 : i32
        %dma_wait3A_485 = arith.constant 0 : i32
        %dma_wait3A_486 = tpu.memref_slice %arg9[%dma_wait3A_473, %dma_wait3A_484, %dma_wait3A_485] : memref<8x128x64xf32, #tpu.memory_space<vmem>> -> memref<1x128x64xf32, #tpu.memory_space<vmem>>
        %dma_wait3A_487 = tpu.memref_squeeze %dma_wait3A_486 : memref<1x128x64xf32, #tpu.memory_space<vmem>> -> memref<128x64xf32, #tpu.memory_space<vmem>>
        tpu.wait_dma2 semaphore(%arg15 : memref<!tpu.dma_semaphore, #tpu.memory_space<semaphore_mem>>) src(%dma_wait3A_487 : memref<128x64xf32, #tpu.memory_space<vmem>>) dst(%dma_wait3A_483 : memref<128x64xf32, #tpu.memory_space<hbm>>)
        %dma_wait3A_488 = arith.constant 6 : i32
        %dma_wait3A_489 = arith.constant 0 : i32
        %dma_wait3A_490 = arith.constant 0 : i32
        %dma_wait3A_491 = tpu.memref_slice %arg9[%dma_wait3A_488, %dma_wait3A_489, %dma_wait3A_490] : memref<8x128x64xf32, #tpu.memory_space<vmem>> -> memref<1x128x64xf32, #tpu.memory_space<vmem>>
        %dma_wait3A_492 = tpu.memref_squeeze %dma_wait3A_491 : memref<1x128x64xf32, #tpu.memory_space<vmem>> -> memref<128x64xf32, #tpu.memory_space<vmem>>
        %dma_wait3A_493 = arith.constant 0 : i32
        %dma_wait3A_494 = arith.constant 0 : i32
        %dma_wait3A_495 = tpu.memref_slice %arg6[%dma_wait3A_493, %dma_wait3A_494] : memref<819200x64xf32, #tpu.memory_space<hbm>> -> memref<128x64xf32, #tpu.memory_space<hbm>>
        %dma_wait3A_496 = arith.constant 0 : i32
        %dma_wait3A_497 = arith.constant 0 : i32
        %dma_wait3A_498 = tpu.memref_slice %arg6[%dma_wait3A_496, %dma_wait3A_497] : memref<819200x64xf32, #tpu.memory_space<hbm>> -> memref<128x64xf32, #tpu.memory_space<hbm>>
        %dma_wait3A_499 = arith.constant 0 : i32
        %dma_wait3A_500 = arith.constant 0 : i32
        %dma_wait3A_501 = tpu.memref_slice %arg9[%dma_wait3A_488, %dma_wait3A_499, %dma_wait3A_500] : memref<8x128x64xf32, #tpu.memory_space<vmem>> -> memref<1x128x64xf32, #tpu.memory_space<vmem>>
        %dma_wait3A_502 = tpu.memref_squeeze %dma_wait3A_501 : memref<1x128x64xf32, #tpu.memory_space<vmem>> -> memref<128x64xf32, #tpu.memory_space<vmem>>
        tpu.wait_dma2 semaphore(%arg15 : memref<!tpu.dma_semaphore, #tpu.memory_space<semaphore_mem>>) src(%dma_wait3A_502 : memref<128x64xf32, #tpu.memory_space<vmem>>) dst(%dma_wait3A_498 : memref<128x64xf32, #tpu.memory_space<hbm>>)
        %dma_wait3A_503 = arith.constant 7 : i32
        %dma_wait3A_504 = arith.constant 0 : i32
        %dma_wait3A_505 = arith.constant 0 : i32
        %dma_wait3A_506 = tpu.memref_slice %arg9[%dma_wait3A_503, %dma_wait3A_504, %dma_wait3A_505] : memref<8x128x64xf32, #tpu.memory_space<vmem>> -> memref<1x128x64xf32, #tpu.memory_space<vmem>>
        %dma_wait3A_507 = tpu.memref_squeeze %dma_wait3A_506 : memref<1x128x64xf32, #tpu.memory_space<vmem>> -> memref<128x64xf32, #tpu.memory_space<vmem>>
        %dma_wait3A_508 = arith.constant 0 : i32
        %dma_wait3A_509 = arith.constant 0 : i32
        %dma_wait3A_510 = tpu.memref_slice %arg6[%dma_wait3A_508, %dma_wait3A_509] : memref<819200x64xf32, #tpu.memory_space<hbm>> -> memref<128x64xf32, #tpu.memory_space<hbm>>
        %dma_wait3A_511 = arith.constant 0 : i32
        %dma_wait3A_512 = arith.constant 0 : i32
        %dma_wait3A_513 = tpu.memref_slice %arg6[%dma_wait3A_511, %dma_wait3A_512] : memref<819200x64xf32, #tpu.memory_space<hbm>> -> memref<128x64xf32, #tpu.memory_space<hbm>>
        %dma_wait3A_514 = arith.constant 0 : i32
        %dma_wait3A_515 = arith.constant 0 : i32
        %dma_wait3A_516 = tpu.memref_slice %arg9[%dma_wait3A_503, %dma_wait3A_514, %dma_wait3A_515] : memref<8x128x64xf32, #tpu.memory_space<vmem>> -> memref<1x128x64xf32, #tpu.memory_space<vmem>>
        %dma_wait3A_517 = tpu.memref_squeeze %dma_wait3A_516 : memref<1x128x64xf32, #tpu.memory_space<vmem>> -> memref<128x64xf32, #tpu.memory_space<vmem>>
        tpu.wait_dma2 semaphore(%arg15 : memref<!tpu.dma_semaphore, #tpu.memory_space<semaphore_mem>>) src(%dma_wait3A_517 : memref<128x64xf32, #tpu.memory_space<vmem>>) dst(%dma_wait3A_513 : memref<128x64xf32, #tpu.memory_space<hbm>>)
      } else {
      }
      %mul3A_82 = arith.constant 4 : i32
      %mul3A_83 = arith.muli %add3A_77, %mul3A_82 : i32
      %add3A_84 = arith.constant 0 : i32
      %add3A_85 = arith.addi %mul3A_83, %add3A_84 : i32
      %dma_start3A = arith.constant 0 : i32
      %dma_start3A_86 = arith.constant 0 : i32
      %dma_start3A_87 = arith.constant 0 : i32
      %dma_start3A_88 = tpu.memref_slice %arg9[%dma_start3A, %dma_start3A_86, %dma_start3A_87] : memref<8x128x64xf32, #tpu.memory_space<vmem>> -> memref<1x128x64xf32, #tpu.memory_space<vmem>>
      %dma_start3A_89 = tpu.memref_squeeze %dma_start3A_88 : memref<1x128x64xf32, #tpu.memory_space<vmem>> -> memref<128x64xf32, #tpu.memory_space<vmem>>
      %dma_start3A_90 = arith.constant 0 : i32
      %dma_start3A_91 = tpu.memref_slice %arg7[%add3A_85, %dma_start3A_90] : memref<200x128xi32, #tpu.memory_space<vmem>> -> memref<1x128xi32, #tpu.memory_space<vmem>>
      %dma_start3A_92 = tpu.memref_squeeze %dma_start3A_91 : memref<1x128xi32, #tpu.memory_space<vmem>> -> memref<128xi32, #tpu.memory_space<vmem>>
      %dma_start3A_93 = arith.constant 0 : i32
      %dma_start3A_94 = arith.constant 0 : i32
      %dma_start3A_95 = tpu.memref_slice %arg4[%dma_start3A_93, %dma_start3A_94] : memref<100000x64xf32, #tpu.memory_space<hbm>> -> memref<100000x64xf32, #tpu.memory_space<hbm>>
      tpu.enqueue_indirect_dma source(%dma_start3A_95 : memref<100000x64xf32, #tpu.memory_space<hbm>>) target(%dma_start3A_89 : memref<128x64xf32, #tpu.memory_space<vmem>>) offsets(%dma_start3A_92 : memref<128xi32, #tpu.memory_space<vmem>>) semaphore(%arg13 : memref<!tpu.dma_semaphore, #tpu.memory_space<semaphore_mem>>)
      %mul3A_96 = arith.constant 4 : i32
      %mul3A_97 = arith.muli %add3A_77, %mul3A_96 : i32
      %add3A_98 = arith.constant 1 : i32
      %add3A_99 = arith.addi %mul3A_97, %add3A_98 : i32
      %dma_start3A_100 = arith.constant 1 : i32
      %dma_start3A_101 = arith.constant 0 : i32
      %dma_start3A_102 = arith.constant 0 : i32
      %dma_start3A_103 = tpu.memref_slice %arg9[%dma_start3A_100, %dma_start3A_101, %dma_start3A_102] : memref<8x128x64xf32, #tpu.memory_space<vmem>> -> memref<1x128x64xf32, #tpu.memory_space<vmem>>
      %dma_start3A_104 = tpu.memref_squeeze %dma_start3A_103 : memref<1x128x64xf32, #tpu.memory_space<vmem>> -> memref<128x64xf32, #tpu.memory_space<vmem>>
      %dma_start3A_105 = arith.constant 0 : i32
      %dma_start3A_106 = tpu.memref_slice %arg7[%add3A_99, %dma_start3A_105] : memref<200x128xi32, #tpu.memory_space<vmem>> -> memref<1x128xi32, #tpu.memory_space<vmem>>
      %dma_start3A_107 = tpu.memref_squeeze %dma_start3A_106 : memref<1x128xi32, #tpu.memory_space<vmem>> -> memref<128xi32, #tpu.memory_space<vmem>>
      %dma_start3A_108 = arith.constant 0 : i32
      %dma_start3A_109 = arith.constant 0 : i32
      %dma_start3A_110 = tpu.memref_slice %arg4[%dma_start3A_108, %dma_start3A_109] : memref<100000x64xf32, #tpu.memory_space<hbm>> -> memref<100000x64xf32, #tpu.memory_space<hbm>>
      tpu.enqueue_indirect_dma source(%dma_start3A_110 : memref<100000x64xf32, #tpu.memory_space<hbm>>) target(%dma_start3A_104 : memref<128x64xf32, #tpu.memory_space<vmem>>) offsets(%dma_start3A_107 : memref<128xi32, #tpu.memory_space<vmem>>) semaphore(%arg13 : memref<!tpu.dma_semaphore, #tpu.memory_space<semaphore_mem>>)
      %mul3A_111 = arith.constant 4 : i32
      %mul3A_112 = arith.muli %add3A_77, %mul3A_111 : i32
      %add3A_113 = arith.constant 2 : i32
      %add3A_114 = arith.addi %mul3A_112, %add3A_113 : i32
      %dma_start3A_115 = arith.constant 2 : i32
      %dma_start3A_116 = arith.constant 0 : i32
      %dma_start3A_117 = arith.constant 0 : i32
      %dma_start3A_118 = tpu.memref_slice %arg9[%dma_start3A_115, %dma_start3A_116, %dma_start3A_117] : memref<8x128x64xf32, #tpu.memory_space<vmem>> -> memref<1x128x64xf32, #tpu.memory_space<vmem>>
      %dma_start3A_119 = tpu.memref_squeeze %dma_start3A_118 : memref<1x128x64xf32, #tpu.memory_space<vmem>> -> memref<128x64xf32, #tpu.memory_space<vmem>>
      %dma_start3A_120 = arith.constant 0 : i32
      %dma_start3A_121 = tpu.memref_slice %arg7[%add3A_114, %dma_start3A_120] : memref<200x128xi32, #tpu.memory_space<vmem>> -> memref<1x128xi32, #tpu.memory_space<vmem>>
      %dma_start3A_122 = tpu.memref_squeeze %dma_start3A_121 : memref<1x128xi32, #tpu.memory_space<vmem>> -> memref<128xi32, #tpu.memory_space<vmem>>
      %dma_start3A_123 = arith.constant 0 : i32
      %dma_start3A_124 = arith.constant 0 : i32
      %dma_start3A_125 = tpu.memref_slice %arg4[%dma_start3A_123, %dma_start3A_124] : memref<100000x64xf32, #tpu.memory_space<hbm>> -> memref<100000x64xf32, #tpu.memory_space<hbm>>
      tpu.enqueue_indirect_dma source(%dma_start3A_125 : memref<100000x64xf32, #tpu.memory_space<hbm>>) target(%dma_start3A_119 : memref<128x64xf32, #tpu.memory_space<vmem>>) offsets(%dma_start3A_122 : memref<128xi32, #tpu.memory_space<vmem>>) semaphore(%arg13 : memref<!tpu.dma_semaphore, #tpu.memory_space<semaphore_mem>>)
      %mul3A_126 = arith.constant 4 : i32
      %mul3A_127 = arith.muli %add3A_77, %mul3A_126 : i32
      %add3A_128 = arith.constant 3 : i32
      %add3A_129 = arith.addi %mul3A_127, %add3A_128 : i32
      %dma_start3A_130 = arith.constant 3 : i32
      %dma_start3A_131 = arith.constant 0 : i32
      %dma_start3A_132 = arith.constant 0 : i32
      %dma_start3A_133 = tpu.memref_slice %arg9[%dma_start3A_130, %dma_start3A_131, %dma_start3A_132] : memref<8x128x64xf32, #tpu.memory_space<vmem>> -> memref<1x128x64xf32, #tpu.memory_space<vmem>>
      %dma_start3A_134 = tpu.memref_squeeze %dma_start3A_133 : memref<1x128x64xf32, #tpu.memory_space<vmem>> -> memref<128x64xf32, #tpu.memory_space<vmem>>
      %dma_start3A_135 = arith.constant 0 : i32
      %dma_start3A_136 = tpu.memref_slice %arg7[%add3A_129, %dma_start3A_135] : memref<200x128xi32, #tpu.memory_space<vmem>> -> memref<1x128xi32, #tpu.memory_space<vmem>>
      %dma_start3A_137 = tpu.memref_squeeze %dma_start3A_136 : memref<1x128xi32, #tpu.memory_space<vmem>> -> memref<128xi32, #tpu.memory_space<vmem>>
      %dma_start3A_138 = arith.constant 0 : i32
      %dma_start3A_139 = arith.constant 0 : i32
      %dma_start3A_140 = tpu.memref_slice %arg4[%dma_start3A_138, %dma_start3A_139] : memref<100000x64xf32, #tpu.memory_space<hbm>> -> memref<100000x64xf32, #tpu.memory_space<hbm>>
      tpu.enqueue_indirect_dma source(%dma_start3A_140 : memref<100000x64xf32, #tpu.memory_space<hbm>>) target(%dma_start3A_134 : memref<128x64xf32, #tpu.memory_space<vmem>>) offsets(%dma_start3A_137 : memref<128xi32, #tpu.memory_space<vmem>>) semaphore(%arg13 : memref<!tpu.dma_semaphore, #tpu.memory_space<semaphore_mem>>)
      %dma_wait3A_141 = arith.constant 0 : i32
      %dma_wait3A_142 = arith.constant 0 : i32
      %dma_wait3A_143 = arith.constant 0 : i32
      %dma_wait3A_144 = tpu.memref_slice %arg9[%dma_wait3A_141, %dma_wait3A_142, %dma_wait3A_143] : memref<8x128x64xf32, #tpu.memory_space<vmem>> -> memref<1x128x64xf32, #tpu.memory_space<vmem>>
      %dma_wait3A_145 = tpu.memref_squeeze %dma_wait3A_144 : memref<1x128x64xf32, #tpu.memory_space<vmem>> -> memref<128x64xf32, #tpu.memory_space<vmem>>
      %dma_wait3A_146 = arith.constant 0 : i32
      %dma_wait3A_147 = tpu.memref_slice %arg7[%add3A_85, %dma_wait3A_146] : memref<200x128xi32, #tpu.memory_space<vmem>> -> memref<1x128xi32, #tpu.memory_space<vmem>>
      %dma_wait3A_148 = tpu.memref_squeeze %dma_wait3A_147 : memref<1x128xi32, #tpu.memory_space<vmem>> -> memref<128xi32, #tpu.memory_space<vmem>>
      %dma_wait3A_149 = arith.constant 0 : i32
      %dma_wait3A_150 = arith.constant 0 : i32
      %dma_wait3A_151 = tpu.memref_slice %arg4[%dma_wait3A_149, %dma_wait3A_150] : memref<100000x64xf32, #tpu.memory_space<hbm>> -> memref<100000x64xf32, #tpu.memory_space<hbm>>
      tpu.wait_indirect_dma semaphore(%arg13 : memref<!tpu.dma_semaphore, #tpu.memory_space<semaphore_mem>>) src(%dma_wait3A_151 : memref<100000x64xf32, #tpu.memory_space<hbm>>) dst(%dma_wait3A_145 : memref<128x64xf32, #tpu.memory_space<vmem>>)
      %dma_wait3A_152 = arith.constant 1 : i32
      %dma_wait3A_153 = arith.constant 0 : i32
      %dma_wait3A_154 = arith.constant 0 : i32
      %dma_wait3A_155 = tpu.memref_slice %arg9[%dma_wait3A_152, %dma_wait3A_153, %dma_wait3A_154] : memref<8x128x64xf32, #tpu.memory_space<vmem>> -> memref<1x128x64xf32, #tpu.memory_space<vmem>>
      %dma_wait3A_156 = tpu.memref_squeeze %dma_wait3A_155 : memref<1x128x64xf32, #tpu.memory_space<vmem>> -> memref<128x64xf32, #tpu.memory_space<vmem>>
      %dma_wait3A_157 = arith.constant 0 : i32
      %dma_wait3A_158 = tpu.memref_slice %arg7[%add3A_99, %dma_wait3A_157] : memref<200x128xi32, #tpu.memory_space<vmem>> -> memref<1x128xi32, #tpu.memory_space<vmem>>
      %dma_wait3A_159 = tpu.memref_squeeze %dma_wait3A_158 : memref<1x128xi32, #tpu.memory_space<vmem>> -> memref<128xi32, #tpu.memory_space<vmem>>
      %dma_wait3A_160 = arith.constant 0 : i32
      %dma_wait3A_161 = arith.constant 0 : i32
      %dma_wait3A_162 = tpu.memref_slice %arg4[%dma_wait3A_160, %dma_wait3A_161] : memref<100000x64xf32, #tpu.memory_space<hbm>> -> memref<100000x64xf32, #tpu.memory_space<hbm>>
      tpu.wait_indirect_dma semaphore(%arg13 : memref<!tpu.dma_semaphore, #tpu.memory_space<semaphore_mem>>) src(%dma_wait3A_162 : memref<100000x64xf32, #tpu.memory_space<hbm>>) dst(%dma_wait3A_156 : memref<128x64xf32, #tpu.memory_space<vmem>>)
      %dma_wait3A_163 = arith.constant 2 : i32
      %dma_wait3A_164 = arith.constant 0 : i32
      %dma_wait3A_165 = arith.constant 0 : i32
      %dma_wait3A_166 = tpu.memref_slice %arg9[%dma_wait3A_163, %dma_wait3A_164, %dma_wait3A_165] : memref<8x128x64xf32, #tpu.memory_space<vmem>> -> memref<1x128x64xf32, #tpu.memory_space<vmem>>
      %dma_wait3A_167 = tpu.memref_squeeze %dma_wait3A_166 : memref<1x128x64xf32, #tpu.memory_space<vmem>> -> memref<128x64xf32, #tpu.memory_space<vmem>>
      %dma_wait3A_168 = arith.constant 0 : i32
      %dma_wait3A_169 = tpu.memref_slice %arg7[%add3A_114, %dma_wait3A_168] : memref<200x128xi32, #tpu.memory_space<vmem>> -> memref<1x128xi32, #tpu.memory_space<vmem>>
      %dma_wait3A_170 = tpu.memref_squeeze %dma_wait3A_169 : memref<1x128xi32, #tpu.memory_space<vmem>> -> memref<128xi32, #tpu.memory_space<vmem>>
      %dma_wait3A_171 = arith.constant 0 : i32
      %dma_wait3A_172 = arith.constant 0 : i32
      %dma_wait3A_173 = tpu.memref_slice %arg4[%dma_wait3A_171, %dma_wait3A_172] : memref<100000x64xf32, #tpu.memory_space<hbm>> -> memref<100000x64xf32, #tpu.memory_space<hbm>>
      tpu.wait_indirect_dma semaphore(%arg13 : memref<!tpu.dma_semaphore, #tpu.memory_space<semaphore_mem>>) src(%dma_wait3A_173 : memref<100000x64xf32, #tpu.memory_space<hbm>>) dst(%dma_wait3A_167 : memref<128x64xf32, #tpu.memory_space<vmem>>)
      %dma_wait3A_174 = arith.constant 3 : i32
      %dma_wait3A_175 = arith.constant 0 : i32
      %dma_wait3A_176 = arith.constant 0 : i32
      %dma_wait3A_177 = tpu.memref_slice %arg9[%dma_wait3A_174, %dma_wait3A_175, %dma_wait3A_176] : memref<8x128x64xf32, #tpu.memory_space<vmem>> -> memref<1x128x64xf32, #tpu.memory_space<vmem>>
      %dma_wait3A_178 = tpu.memref_squeeze %dma_wait3A_177 : memref<1x128x64xf32, #tpu.memory_space<vmem>> -> memref<128x64xf32, #tpu.memory_space<vmem>>
      %dma_wait3A_179 = arith.constant 0 : i32
      %dma_wait3A_180 = tpu.memref_slice %arg7[%add3A_129, %dma_wait3A_179] : memref<200x128xi32, #tpu.memory_space<vmem>> -> memref<1x128xi32, #tpu.memory_space<vmem>>
      %dma_wait3A_181 = tpu.memref_squeeze %dma_wait3A_180 : memref<1x128xi32, #tpu.memory_space<vmem>> -> memref<128xi32, #tpu.memory_space<vmem>>
      %dma_wait3A_182 = arith.constant 0 : i32
      %dma_wait3A_183 = arith.constant 0 : i32
      %dma_wait3A_184 = tpu.memref_slice %arg4[%dma_wait3A_182, %dma_wait3A_183] : memref<100000x64xf32, #tpu.memory_space<hbm>> -> memref<100000x64xf32, #tpu.memory_space<hbm>>
      tpu.wait_indirect_dma semaphore(%arg13 : memref<!tpu.dma_semaphore, #tpu.memory_space<semaphore_mem>>) src(%dma_wait3A_184 : memref<100000x64xf32, #tpu.memory_space<hbm>>) dst(%dma_wait3A_178 : memref<128x64xf32, #tpu.memory_space<vmem>>)
      %mul3A_185 = arith.constant 4 : i32
      %mul3A_186 = arith.muli %add3A_77, %mul3A_185 : i32
      %add3A_187 = arith.addi %mul3A_8, %mul3A_186 : i32
      %add3A_188 = arith.constant 0 : i32
      %add3A_189 = arith.addi %add3A_187, %add3A_188 : i32
      %mul3A_190 = arith.constant 128 : i32
      %mul3A_191 = arith.muli %add3A_189, %mul3A_190 : i32
      %dma_start3A_192 = arith.constant 0 : i32
      %dma_start3A_193 = arith.constant 0 : i32
      %dma_start3A_194 = arith.constant 0 : i32
      %dma_start3A_195 = tpu.memref_slice %arg9[%dma_start3A_192, %dma_start3A_193, %dma_start3A_194] : memref<8x128x64xf32, #tpu.memory_space<vmem>> -> memref<1x128x64xf32, #tpu.memory_space<vmem>>
      %dma_start3A_196 = tpu.memref_squeeze %dma_start3A_195 : memref<1x128x64xf32, #tpu.memory_space<vmem>> -> memref<128x64xf32, #tpu.memory_space<vmem>>
      %dma_start3A_197 = arith.constant 0 : i32
      %dma_start3A_198 = tpu.memref_slice %arg6[%mul3A_191, %dma_start3A_197] : memref<819200x64xf32, #tpu.memory_space<hbm>> -> memref<128x64xf32, #tpu.memory_space<hbm>>
      %dma_start3A_199 = arith.constant 0 : i32
      %dma_start3A_200 = tpu.memref_slice %arg6[%mul3A_191, %dma_start3A_199] : memref<819200x64xf32, #tpu.memory_space<hbm>> -> memref<128x64xf32, #tpu.memory_space<hbm>>
      %dma_start3A_201 = arith.constant 0 : i32
      %dma_start3A_202 = arith.constant 0 : i32
      %dma_start3A_203 = tpu.memref_slice %arg9[%dma_start3A_192, %dma_start3A_201, %dma_start3A_202] : memref<8x128x64xf32, #tpu.memory_space<vmem>> -> memref<1x128x64xf32, #tpu.memory_space<vmem>>
      %dma_start3A_204 = tpu.memref_squeeze %dma_start3A_203 : memref<1x128x64xf32, #tpu.memory_space<vmem>> -> memref<128x64xf32, #tpu.memory_space<vmem>>
      tpu.enqueue_dma source(%dma_start3A_204 : memref<128x64xf32, #tpu.memory_space<vmem>>) target(%dma_start3A_200 : memref<128x64xf32, #tpu.memory_space<hbm>>) target_semaphore(%arg14 : memref<!tpu.dma_semaphore, #tpu.memory_space<semaphore_mem>>)
      %mul3A_205 = arith.constant 4 : i32
      %mul3A_206 = arith.muli %add3A_77, %mul3A_205 : i32
      %add3A_207 = arith.addi %mul3A_8, %mul3A_206 : i32
      %add3A_208 = arith.constant 1 : i32
      %add3A_209 = arith.addi %add3A_207, %add3A_208 : i32
      %mul3A_210 = arith.constant 128 : i32
      %mul3A_211 = arith.muli %add3A_209, %mul3A_210 : i32
      %dma_start3A_212 = arith.constant 1 : i32
      %dma_start3A_213 = arith.constant 0 : i32
      %dma_start3A_214 = arith.constant 0 : i32
      %dma_start3A_215 = tpu.memref_slice %arg9[%dma_start3A_212, %dma_start3A_213, %dma_start3A_214] : memref<8x128x64xf32, #tpu.memory_space<vmem>> -> memref<1x128x64xf32, #tpu.memory_space<vmem>>
      %dma_start3A_216 = tpu.memref_squeeze %dma_start3A_215 : memref<1x128x64xf32, #tpu.memory_space<vmem>> -> memref<128x64xf32, #tpu.memory_space<vmem>>
      %dma_start3A_217 = arith.constant 0 : i32
      %dma_start3A_218 = tpu.memref_slice %arg6[%mul3A_211, %dma_start3A_217] : memref<819200x64xf32, #tpu.memory_space<hbm>> -> memref<128x64xf32, #tpu.memory_space<hbm>>
      %dma_start3A_219 = arith.constant 0 : i32
      %dma_start3A_220 = tpu.memref_slice %arg6[%mul3A_211, %dma_start3A_219] : memref<819200x64xf32, #tpu.memory_space<hbm>> -> memref<128x64xf32, #tpu.memory_space<hbm>>
      %dma_start3A_221 = arith.constant 0 : i32
      %dma_start3A_222 = arith.constant 0 : i32
      %dma_start3A_223 = tpu.memref_slice %arg9[%dma_start3A_212, %dma_start3A_221, %dma_start3A_222] : memref<8x128x64xf32, #tpu.memory_space<vmem>> -> memref<1x128x64xf32, #tpu.memory_space<vmem>>
      %dma_start3A_224 = tpu.memref_squeeze %dma_start3A_223 : memref<1x128x64xf32, #tpu.memory_space<vmem>> -> memref<128x64xf32, #tpu.memory_space<vmem>>
      tpu.enqueue_dma source(%dma_start3A_224 : memref<128x64xf32, #tpu.memory_space<vmem>>) target(%dma_start3A_220 : memref<128x64xf32, #tpu.memory_space<hbm>>) target_semaphore(%arg14 : memref<!tpu.dma_semaphore, #tpu.memory_space<semaphore_mem>>)
      %mul3A_225 = arith.constant 4 : i32
      %mul3A_226 = arith.muli %add3A_77, %mul3A_225 : i32
      %add3A_227 = arith.addi %mul3A_8, %mul3A_226 : i32
      %add3A_228 = arith.constant 2 : i32
      %add3A_229 = arith.addi %add3A_227, %add3A_228 : i32
      %mul3A_230 = arith.constant 128 : i32
      %mul3A_231 = arith.muli %add3A_229, %mul3A_230 : i32
      %dma_start3A_232 = arith.constant 2 : i32
      %dma_start3A_233 = arith.constant 0 : i32
      %dma_start3A_234 = arith.constant 0 : i32
      %dma_start3A_235 = tpu.memref_slice %arg9[%dma_start3A_232, %dma_start3A_233, %dma_start3A_234] : memref<8x128x64xf32, #tpu.memory_space<vmem>> -> memref<1x128x64xf32, #tpu.memory_space<vmem>>
      %dma_start3A_236 = tpu.memref_squeeze %dma_start3A_235 : memref<1x128x64xf32, #tpu.memory_space<vmem>> -> memref<128x64xf32, #tpu.memory_space<vmem>>
      %dma_start3A_237 = arith.constant 0 : i32
      %dma_start3A_238 = tpu.memref_slice %arg6[%mul3A_231, %dma_start3A_237] : memref<819200x64xf32, #tpu.memory_space<hbm>> -> memref<128x64xf32, #tpu.memory_space<hbm>>
      %dma_start3A_239 = arith.constant 0 : i32
      %dma_start3A_240 = tpu.memref_slice %arg6[%mul3A_231, %dma_start3A_239] : memref<819200x64xf32, #tpu.memory_space<hbm>> -> memref<128x64xf32, #tpu.memory_space<hbm>>
      %dma_start3A_241 = arith.constant 0 : i32
      %dma_start3A_242 = arith.constant 0 : i32
      %dma_start3A_243 = tpu.memref_slice %arg9[%dma_start3A_232, %dma_start3A_241, %dma_start3A_242] : memref<8x128x64xf32, #tpu.memory_space<vmem>> -> memref<1x128x64xf32, #tpu.memory_space<vmem>>
      %dma_start3A_244 = tpu.memref_squeeze %dma_start3A_243 : memref<1x128x64xf32, #tpu.memory_space<vmem>> -> memref<128x64xf32, #tpu.memory_space<vmem>>
      tpu.enqueue_dma source(%dma_start3A_244 : memref<128x64xf32, #tpu.memory_space<vmem>>) target(%dma_start3A_240 : memref<128x64xf32, #tpu.memory_space<hbm>>) target_semaphore(%arg14 : memref<!tpu.dma_semaphore, #tpu.memory_space<semaphore_mem>>)
      %mul3A_245 = arith.constant 4 : i32
      %mul3A_246 = arith.muli %add3A_77, %mul3A_245 : i32
      %add3A_247 = arith.addi %mul3A_8, %mul3A_246 : i32
      %add3A_248 = arith.constant 3 : i32
      %add3A_249 = arith.addi %add3A_247, %add3A_248 : i32
      %mul3A_250 = arith.constant 128 : i32
      %mul3A_251 = arith.muli %add3A_249, %mul3A_250 : i32
      %dma_start3A_252 = arith.constant 3 : i32
      %dma_start3A_253 = arith.constant 0 : i32
      %dma_start3A_254 = arith.constant 0 : i32
      %dma_start3A_255 = tpu.memref_slice %arg9[%dma_start3A_252, %dma_start3A_253, %dma_start3A_254] : memref<8x128x64xf32, #tpu.memory_space<vmem>> -> memref<1x128x64xf32, #tpu.memory_space<vmem>>
      %dma_start3A_256 = tpu.memref_squeeze %dma_start3A_255 : memref<1x128x64xf32, #tpu.memory_space<vmem>> -> memref<128x64xf32, #tpu.memory_space<vmem>>
      %dma_start3A_257 = arith.constant 0 : i32
      %dma_start3A_258 = tpu.memref_slice %arg6[%mul3A_251, %dma_start3A_257] : memref<819200x64xf32, #tpu.memory_space<hbm>> -> memref<128x64xf32, #tpu.memory_space<hbm>>
      %dma_start3A_259 = arith.constant 0 : i32
      %dma_start3A_260 = tpu.memref_slice %arg6[%mul3A_251, %dma_start3A_259] : memref<819200x64xf32, #tpu.memory_space<hbm>> -> memref<128x64xf32, #tpu.memory_space<hbm>>
      %dma_start3A_261 = arith.constant 0 : i32
      %dma_start3A_262 = arith.constant 0 : i32
      %dma_start3A_263 = tpu.memref_slice %arg9[%dma_start3A_252, %dma_start3A_261, %dma_start3A_262] : memref<8x128x64xf32, #tpu.memory_space<vmem>> -> memref<1x128x64xf32, #tpu.memory_space<vmem>>
      %dma_start3A_264 = tpu.memref_squeeze %dma_start3A_263 : memref<1x128x64xf32, #tpu.memory_space<vmem>> -> memref<128x64xf32, #tpu.memory_space<vmem>>
      tpu.enqueue_dma source(%dma_start3A_264 : memref<128x64xf32, #tpu.memory_space<vmem>>) target(%dma_start3A_260 : memref<128x64xf32, #tpu.memory_space<hbm>>) target_semaphore(%arg14 : memref<!tpu.dma_semaphore, #tpu.memory_space<semaphore_mem>>)
      %mul3A_265 = arith.constant 2 : i32
      %mul3A_266 = arith.muli %scan3A_73, %mul3A_265 : i32
      %add3A_267 = arith.constant 1 : i32
      %add3A_268 = arith.addi %mul3A_266, %add3A_267 : i32
      %gt3A_269 = arith.constant 0 : i32
      %gt3A_270 = arith.cmpi sgt, %add3A_268, %gt3A_269 : i32
      %convert_element_type3A_271 = arith.extui %gt3A_270 : i1 to i32
      %cond3A_272 = arith.constant 0 : i32
      %cond3A_273 = arith.cmpi ne, %convert_element_type3A_271, %cond3A_272 : i32
      scf.if %cond3A_273 {
        %dma_wait3A_458 = arith.constant 0 : i32
        %dma_wait3A_459 = arith.constant 0 : i32
        %dma_wait3A_460 = arith.constant 0 : i32
        %dma_wait3A_461 = tpu.memref_slice %arg9[%dma_wait3A_458, %dma_wait3A_459, %dma_wait3A_460] : memref<8x128x64xf32, #tpu.memory_space<vmem>> -> memref<1x128x64xf32, #tpu.memory_space<vmem>>
        %dma_wait3A_462 = tpu.memref_squeeze %dma_wait3A_461 : memref<1x128x64xf32, #tpu.memory_space<vmem>> -> memref<128x64xf32, #tpu.memory_space<vmem>>
        %dma_wait3A_463 = arith.constant 0 : i32
        %dma_wait3A_464 = arith.constant 0 : i32
        %dma_wait3A_465 = tpu.memref_slice %arg6[%dma_wait3A_463, %dma_wait3A_464] : memref<819200x64xf32, #tpu.memory_space<hbm>> -> memref<128x64xf32, #tpu.memory_space<hbm>>
        %dma_wait3A_466 = arith.constant 0 : i32
        %dma_wait3A_467 = arith.constant 0 : i32
        %dma_wait3A_468 = tpu.memref_slice %arg6[%dma_wait3A_466, %dma_wait3A_467] : memref<819200x64xf32, #tpu.memory_space<hbm>> -> memref<128x64xf32, #tpu.memory_space<hbm>>
        %dma_wait3A_469 = arith.constant 0 : i32
        %dma_wait3A_470 = arith.constant 0 : i32
        %dma_wait3A_471 = tpu.memref_slice %arg9[%dma_wait3A_458, %dma_wait3A_469, %dma_wait3A_470] : memref<8x128x64xf32, #tpu.memory_space<vmem>> -> memref<1x128x64xf32, #tpu.memory_space<vmem>>
        %dma_wait3A_472 = tpu.memref_squeeze %dma_wait3A_471 : memref<1x128x64xf32, #tpu.memory_space<vmem>> -> memref<128x64xf32, #tpu.memory_space<vmem>>
        tpu.wait_dma2 semaphore(%arg14 : memref<!tpu.dma_semaphore, #tpu.memory_space<semaphore_mem>>) src(%dma_wait3A_472 : memref<128x64xf32, #tpu.memory_space<vmem>>) dst(%dma_wait3A_468 : memref<128x64xf32, #tpu.memory_space<hbm>>)
        %dma_wait3A_473 = arith.constant 1 : i32
        %dma_wait3A_474 = arith.constant 0 : i32
        %dma_wait3A_475 = arith.constant 0 : i32
        %dma_wait3A_476 = tpu.memref_slice %arg9[%dma_wait3A_473, %dma_wait3A_474, %dma_wait3A_475] : memref<8x128x64xf32, #tpu.memory_space<vmem>> -> memref<1x128x64xf32, #tpu.memory_space<vmem>>
        %dma_wait3A_477 = tpu.memref_squeeze %dma_wait3A_476 : memref<1x128x64xf32, #tpu.memory_space<vmem>> -> memref<128x64xf32, #tpu.memory_space<vmem>>
        %dma_wait3A_478 = arith.constant 0 : i32
        %dma_wait3A_479 = arith.constant 0 : i32
        %dma_wait3A_480 = tpu.memref_slice %arg6[%dma_wait3A_478, %dma_wait3A_479] : memref<819200x64xf32, #tpu.memory_space<hbm>> -> memref<128x64xf32, #tpu.memory_space<hbm>>
        %dma_wait3A_481 = arith.constant 0 : i32
        %dma_wait3A_482 = arith.constant 0 : i32
        %dma_wait3A_483 = tpu.memref_slice %arg6[%dma_wait3A_481, %dma_wait3A_482] : memref<819200x64xf32, #tpu.memory_space<hbm>> -> memref<128x64xf32, #tpu.memory_space<hbm>>
        %dma_wait3A_484 = arith.constant 0 : i32
        %dma_wait3A_485 = arith.constant 0 : i32
        %dma_wait3A_486 = tpu.memref_slice %arg9[%dma_wait3A_473, %dma_wait3A_484, %dma_wait3A_485] : memref<8x128x64xf32, #tpu.memory_space<vmem>> -> memref<1x128x64xf32, #tpu.memory_space<vmem>>
        %dma_wait3A_487 = tpu.memref_squeeze %dma_wait3A_486 : memref<1x128x64xf32, #tpu.memory_space<vmem>> -> memref<128x64xf32, #tpu.memory_space<vmem>>
        tpu.wait_dma2 semaphore(%arg14 : memref<!tpu.dma_semaphore, #tpu.memory_space<semaphore_mem>>) src(%dma_wait3A_487 : memref<128x64xf32, #tpu.memory_space<vmem>>) dst(%dma_wait3A_483 : memref<128x64xf32, #tpu.memory_space<hbm>>)
        %dma_wait3A_488 = arith.constant 2 : i32
        %dma_wait3A_489 = arith.constant 0 : i32
        %dma_wait3A_490 = arith.constant 0 : i32
        %dma_wait3A_491 = tpu.memref_slice %arg9[%dma_wait3A_488, %dma_wait3A_489, %dma_wait3A_490] : memref<8x128x64xf32, #tpu.memory_space<vmem>> -> memref<1x128x64xf32, #tpu.memory_space<vmem>>
        %dma_wait3A_492 = tpu.memref_squeeze %dma_wait3A_491 : memref<1x128x64xf32, #tpu.memory_space<vmem>> -> memref<128x64xf32, #tpu.memory_space<vmem>>
        %dma_wait3A_493 = arith.constant 0 : i32
        %dma_wait3A_494 = arith.constant 0 : i32
        %dma_wait3A_495 = tpu.memref_slice %arg6[%dma_wait3A_493, %dma_wait3A_494] : memref<819200x64xf32, #tpu.memory_space<hbm>> -> memref<128x64xf32, #tpu.memory_space<hbm>>
        %dma_wait3A_496 = arith.constant 0 : i32
        %dma_wait3A_497 = arith.constant 0 : i32
        %dma_wait3A_498 = tpu.memref_slice %arg6[%dma_wait3A_496, %dma_wait3A_497] : memref<819200x64xf32, #tpu.memory_space<hbm>> -> memref<128x64xf32, #tpu.memory_space<hbm>>
        %dma_wait3A_499 = arith.constant 0 : i32
        %dma_wait3A_500 = arith.constant 0 : i32
        %dma_wait3A_501 = tpu.memref_slice %arg9[%dma_wait3A_488, %dma_wait3A_499, %dma_wait3A_500] : memref<8x128x64xf32, #tpu.memory_space<vmem>> -> memref<1x128x64xf32, #tpu.memory_space<vmem>>
        %dma_wait3A_502 = tpu.memref_squeeze %dma_wait3A_501 : memref<1x128x64xf32, #tpu.memory_space<vmem>> -> memref<128x64xf32, #tpu.memory_space<vmem>>
        tpu.wait_dma2 semaphore(%arg14 : memref<!tpu.dma_semaphore, #tpu.memory_space<semaphore_mem>>) src(%dma_wait3A_502 : memref<128x64xf32, #tpu.memory_space<vmem>>) dst(%dma_wait3A_498 : memref<128x64xf32, #tpu.memory_space<hbm>>)
        %dma_wait3A_503 = arith.constant 3 : i32
        %dma_wait3A_504 = arith.constant 0 : i32
        %dma_wait3A_505 = arith.constant 0 : i32
        %dma_wait3A_506 = tpu.memref_slice %arg9[%dma_wait3A_503, %dma_wait3A_504, %dma_wait3A_505] : memref<8x128x64xf32, #tpu.memory_space<vmem>> -> memref<1x128x64xf32, #tpu.memory_space<vmem>>
        %dma_wait3A_507 = tpu.memref_squeeze %dma_wait3A_506 : memref<1x128x64xf32, #tpu.memory_space<vmem>> -> memref<128x64xf32, #tpu.memory_space<vmem>>
        %dma_wait3A_508 = arith.constant 0 : i32
        %dma_wait3A_509 = arith.constant 0 : i32
        %dma_wait3A_510 = tpu.memref_slice %arg6[%dma_wait3A_508, %dma_wait3A_509] : memref<819200x64xf32, #tpu.memory_space<hbm>> -> memref<128x64xf32, #tpu.memory_space<hbm>>
        %dma_wait3A_511 = arith.constant 0 : i32
        %dma_wait3A_512 = arith.constant 0 : i32
        %dma_wait3A_513 = tpu.memref_slice %arg6[%dma_wait3A_511, %dma_wait3A_512] : memref<819200x64xf32, #tpu.memory_space<hbm>> -> memref<128x64xf32, #tpu.memory_space<hbm>>
        %dma_wait3A_514 = arith.constant 0 : i32
        %dma_wait3A_515 = arith.constant 0 : i32
        %dma_wait3A_516 = tpu.memref_slice %arg9[%dma_wait3A_503, %dma_wait3A_514, %dma_wait3A_515] : memref<8x128x64xf32, #tpu.memory_space<vmem>> -> memref<1x128x64xf32, #tpu.memory_space<vmem>>
        %dma_wait3A_517 = tpu.memref_squeeze %dma_wait3A_516 : memref<1x128x64xf32, #tpu.memory_space<vmem>> -> memref<128x64xf32, #tpu.memory_space<vmem>>
        tpu.wait_dma2 semaphore(%arg14 : memref<!tpu.dma_semaphore, #tpu.memory_space<semaphore_mem>>) src(%dma_wait3A_517 : memref<128x64xf32, #tpu.memory_space<vmem>>) dst(%dma_wait3A_513 : memref<128x64xf32, #tpu.memory_space<hbm>>)
      } else {
      }
      %mul3A_274 = arith.constant 4 : i32
      %mul3A_275 = arith.muli %add3A_268, %mul3A_274 : i32
      %add3A_276 = arith.constant 0 : i32
      %add3A_277 = arith.addi %mul3A_275, %add3A_276 : i32
      %dma_start3A_278 = arith.constant 4 : i32
      %dma_start3A_279 = arith.constant 0 : i32
      %dma_start3A_280 = arith.constant 0 : i32
      %dma_start3A_281 = tpu.memref_slice %arg9[%dma_start3A_278, %dma_start3A_279, %dma_start3A_280] : memref<8x128x64xf32, #tpu.memory_space<vmem>> -> memref<1x128x64xf32, #tpu.memory_space<vmem>>
      %dma_start3A_282 = tpu.memref_squeeze %dma_start3A_281 : memref<1x128x64xf32, #tpu.memory_space<vmem>> -> memref<128x64xf32, #tpu.memory_space<vmem>>
      %dma_start3A_283 = arith.constant 0 : i32
      %dma_start3A_284 = tpu.memref_slice %arg7[%add3A_277, %dma_start3A_283] : memref<200x128xi32, #tpu.memory_space<vmem>> -> memref<1x128xi32, #tpu.memory_space<vmem>>
      %dma_start3A_285 = tpu.memref_squeeze %dma_start3A_284 : memref<1x128xi32, #tpu.memory_space<vmem>> -> memref<128xi32, #tpu.memory_space<vmem>>
      %dma_start3A_286 = arith.constant 0 : i32
      %dma_start3A_287 = arith.constant 0 : i32
      %dma_start3A_288 = tpu.memref_slice %arg4[%dma_start3A_286, %dma_start3A_287] : memref<100000x64xf32, #tpu.memory_space<hbm>> -> memref<100000x64xf32, #tpu.memory_space<hbm>>
      tpu.enqueue_indirect_dma source(%dma_start3A_288 : memref<100000x64xf32, #tpu.memory_space<hbm>>) target(%dma_start3A_282 : memref<128x64xf32, #tpu.memory_space<vmem>>) offsets(%dma_start3A_285 : memref<128xi32, #tpu.memory_space<vmem>>) semaphore(%arg13 : memref<!tpu.dma_semaphore, #tpu.memory_space<semaphore_mem>>)
      %mul3A_289 = arith.constant 4 : i32
      %mul3A_290 = arith.muli %add3A_268, %mul3A_289 : i32
      %add3A_291 = arith.constant 1 : i32
      %add3A_292 = arith.addi %mul3A_290, %add3A_291 : i32
      %dma_start3A_293 = arith.constant 5 : i32
      %dma_start3A_294 = arith.constant 0 : i32
      %dma_start3A_295 = arith.constant 0 : i32
      %dma_start3A_296 = tpu.memref_slice %arg9[%dma_start3A_293, %dma_start3A_294, %dma_start3A_295] : memref<8x128x64xf32, #tpu.memory_space<vmem>> -> memref<1x128x64xf32, #tpu.memory_space<vmem>>
      %dma_start3A_297 = tpu.memref_squeeze %dma_start3A_296 : memref<1x128x64xf32, #tpu.memory_space<vmem>> -> memref<128x64xf32, #tpu.memory_space<vmem>>
      %dma_start3A_298 = arith.constant 0 : i32
      %dma_start3A_299 = tpu.memref_slice %arg7[%add3A_292, %dma_start3A_298] : memref<200x128xi32, #tpu.memory_space<vmem>> -> memref<1x128xi32, #tpu.memory_space<vmem>>
      %dma_start3A_300 = tpu.memref_squeeze %dma_start3A_299 : memref<1x128xi32, #tpu.memory_space<vmem>> -> memref<128xi32, #tpu.memory_space<vmem>>
      %dma_start3A_301 = arith.constant 0 : i32
      %dma_start3A_302 = arith.constant 0 : i32
      %dma_start3A_303 = tpu.memref_slice %arg4[%dma_start3A_301, %dma_start3A_302] : memref<100000x64xf32, #tpu.memory_space<hbm>> -> memref<100000x64xf32, #tpu.memory_space<hbm>>
      tpu.enqueue_indirect_dma source(%dma_start3A_303 : memref<100000x64xf32, #tpu.memory_space<hbm>>) target(%dma_start3A_297 : memref<128x64xf32, #tpu.memory_space<vmem>>) offsets(%dma_start3A_300 : memref<128xi32, #tpu.memory_space<vmem>>) semaphore(%arg13 : memref<!tpu.dma_semaphore, #tpu.memory_space<semaphore_mem>>)
      %mul3A_304 = arith.constant 4 : i32
      %mul3A_305 = arith.muli %add3A_268, %mul3A_304 : i32
      %add3A_306 = arith.constant 2 : i32
      %add3A_307 = arith.addi %mul3A_305, %add3A_306 : i32
      %dma_start3A_308 = arith.constant 6 : i32
      %dma_start3A_309 = arith.constant 0 : i32
      %dma_start3A_310 = arith.constant 0 : i32
      %dma_start3A_311 = tpu.memref_slice %arg9[%dma_start3A_308, %dma_start3A_309, %dma_start3A_310] : memref<8x128x64xf32, #tpu.memory_space<vmem>> -> memref<1x128x64xf32, #tpu.memory_space<vmem>>
      %dma_start3A_312 = tpu.memref_squeeze %dma_start3A_311 : memref<1x128x64xf32, #tpu.memory_space<vmem>> -> memref<128x64xf32, #tpu.memory_space<vmem>>
      %dma_start3A_313 = arith.constant 0 : i32
      %dma_start3A_314 = tpu.memref_slice %arg7[%add3A_307, %dma_start3A_313] : memref<200x128xi32, #tpu.memory_space<vmem>> -> memref<1x128xi32, #tpu.memory_space<vmem>>
      %dma_start3A_315 = tpu.memref_squeeze %dma_start3A_314 : memref<1x128xi32, #tpu.memory_space<vmem>> -> memref<128xi32, #tpu.memory_space<vmem>>
      %dma_start3A_316 = arith.constant 0 : i32
      %dma_start3A_317 = arith.constant 0 : i32
      %dma_start3A_318 = tpu.memref_slice %arg4[%dma_start3A_316, %dma_start3A_317] : memref<100000x64xf32, #tpu.memory_space<hbm>> -> memref<100000x64xf32, #tpu.memory_space<hbm>>
      tpu.enqueue_indirect_dma source(%dma_start3A_318 : memref<100000x64xf32, #tpu.memory_space<hbm>>) target(%dma_start3A_312 : memref<128x64xf32, #tpu.memory_space<vmem>>) offsets(%dma_start3A_315 : memref<128xi32, #tpu.memory_space<vmem>>) semaphore(%arg13 : memref<!tpu.dma_semaphore, #tpu.memory_space<semaphore_mem>>)
      %mul3A_319 = arith.constant 4 : i32
      %mul3A_320 = arith.muli %add3A_268, %mul3A_319 : i32
      %add3A_321 = arith.constant 3 : i32
      %add3A_322 = arith.addi %mul3A_320, %add3A_321 : i32
      %dma_start3A_323 = arith.constant 7 : i32
      %dma_start3A_324 = arith.constant 0 : i32
      %dma_start3A_325 = arith.constant 0 : i32
      %dma_start3A_326 = tpu.memref_slice %arg9[%dma_start3A_323, %dma_start3A_324, %dma_start3A_325] : memref<8x128x64xf32, #tpu.memory_space<vmem>> -> memref<1x128x64xf32, #tpu.memory_space<vmem>>
      %dma_start3A_327 = tpu.memref_squeeze %dma_start3A_326 : memref<1x128x64xf32, #tpu.memory_space<vmem>> -> memref<128x64xf32, #tpu.memory_space<vmem>>
      %dma_start3A_328 = arith.constant 0 : i32
      %dma_start3A_329 = tpu.memref_slice %arg7[%add3A_322, %dma_start3A_328] : memref<200x128xi32, #tpu.memory_space<vmem>> -> memref<1x128xi32, #tpu.memory_space<vmem>>
      %dma_start3A_330 = tpu.memref_squeeze %dma_start3A_329 : memref<1x128xi32, #tpu.memory_space<vmem>> -> memref<128xi32, #tpu.memory_space<vmem>>
      %dma_start3A_331 = arith.constant 0 : i32
      %dma_start3A_332 = arith.constant 0 : i32
      %dma_start3A_333 = tpu.memref_slice %arg4[%dma_start3A_331, %dma_start3A_332] : memref<100000x64xf32, #tpu.memory_space<hbm>> -> memref<100000x64xf32, #tpu.memory_space<hbm>>
      tpu.enqueue_indirect_dma source(%dma_start3A_333 : memref<100000x64xf32, #tpu.memory_space<hbm>>) target(%dma_start3A_327 : memref<128x64xf32, #tpu.memory_space<vmem>>) offsets(%dma_start3A_330 : memref<128xi32, #tpu.memory_space<vmem>>) semaphore(%arg13 : memref<!tpu.dma_semaphore, #tpu.memory_space<semaphore_mem>>)
      %dma_wait3A_334 = arith.constant 4 : i32
      %dma_wait3A_335 = arith.constant 0 : i32
      %dma_wait3A_336 = arith.constant 0 : i32
      %dma_wait3A_337 = tpu.memref_slice %arg9[%dma_wait3A_334, %dma_wait3A_335, %dma_wait3A_336] : memref<8x128x64xf32, #tpu.memory_space<vmem>> -> memref<1x128x64xf32, #tpu.memory_space<vmem>>
      %dma_wait3A_338 = tpu.memref_squeeze %dma_wait3A_337 : memref<1x128x64xf32, #tpu.memory_space<vmem>> -> memref<128x64xf32, #tpu.memory_space<vmem>>
      %dma_wait3A_339 = arith.constant 0 : i32
      %dma_wait3A_340 = tpu.memref_slice %arg7[%add3A_277, %dma_wait3A_339] : memref<200x128xi32, #tpu.memory_space<vmem>> -> memref<1x128xi32, #tpu.memory_space<vmem>>
      %dma_wait3A_341 = tpu.memref_squeeze %dma_wait3A_340 : memref<1x128xi32, #tpu.memory_space<vmem>> -> memref<128xi32, #tpu.memory_space<vmem>>
      %dma_wait3A_342 = arith.constant 0 : i32
      %dma_wait3A_343 = arith.constant 0 : i32
      %dma_wait3A_344 = tpu.memref_slice %arg4[%dma_wait3A_342, %dma_wait3A_343] : memref<100000x64xf32, #tpu.memory_space<hbm>> -> memref<100000x64xf32, #tpu.memory_space<hbm>>
      tpu.wait_indirect_dma semaphore(%arg13 : memref<!tpu.dma_semaphore, #tpu.memory_space<semaphore_mem>>) src(%dma_wait3A_344 : memref<100000x64xf32, #tpu.memory_space<hbm>>) dst(%dma_wait3A_338 : memref<128x64xf32, #tpu.memory_space<vmem>>)
      %dma_wait3A_345 = arith.constant 5 : i32
      %dma_wait3A_346 = arith.constant 0 : i32
      %dma_wait3A_347 = arith.constant 0 : i32
      %dma_wait3A_348 = tpu.memref_slice %arg9[%dma_wait3A_345, %dma_wait3A_346, %dma_wait3A_347] : memref<8x128x64xf32, #tpu.memory_space<vmem>> -> memref<1x128x64xf32, #tpu.memory_space<vmem>>
      %dma_wait3A_349 = tpu.memref_squeeze %dma_wait3A_348 : memref<1x128x64xf32, #tpu.memory_space<vmem>> -> memref<128x64xf32, #tpu.memory_space<vmem>>
      %dma_wait3A_350 = arith.constant 0 : i32
      %dma_wait3A_351 = tpu.memref_slice %arg7[%add3A_292, %dma_wait3A_350] : memref<200x128xi32, #tpu.memory_space<vmem>> -> memref<1x128xi32, #tpu.memory_space<vmem>>
      %dma_wait3A_352 = tpu.memref_squeeze %dma_wait3A_351 : memref<1x128xi32, #tpu.memory_space<vmem>> -> memref<128xi32, #tpu.memory_space<vmem>>
      %dma_wait3A_353 = arith.constant 0 : i32
      %dma_wait3A_354 = arith.constant 0 : i32
      %dma_wait3A_355 = tpu.memref_slice %arg4[%dma_wait3A_353, %dma_wait3A_354] : memref<100000x64xf32, #tpu.memory_space<hbm>> -> memref<100000x64xf32, #tpu.memory_space<hbm>>
      tpu.wait_indirect_dma semaphore(%arg13 : memref<!tpu.dma_semaphore, #tpu.memory_space<semaphore_mem>>) src(%dma_wait3A_355 : memref<100000x64xf32, #tpu.memory_space<hbm>>) dst(%dma_wait3A_349 : memref<128x64xf32, #tpu.memory_space<vmem>>)
      %dma_wait3A_356 = arith.constant 6 : i32
      %dma_wait3A_357 = arith.constant 0 : i32
      %dma_wait3A_358 = arith.constant 0 : i32
      %dma_wait3A_359 = tpu.memref_slice %arg9[%dma_wait3A_356, %dma_wait3A_357, %dma_wait3A_358] : memref<8x128x64xf32, #tpu.memory_space<vmem>> -> memref<1x128x64xf32, #tpu.memory_space<vmem>>
      %dma_wait3A_360 = tpu.memref_squeeze %dma_wait3A_359 : memref<1x128x64xf32, #tpu.memory_space<vmem>> -> memref<128x64xf32, #tpu.memory_space<vmem>>
      %dma_wait3A_361 = arith.constant 0 : i32
      %dma_wait3A_362 = tpu.memref_slice %arg7[%add3A_307, %dma_wait3A_361] : memref<200x128xi32, #tpu.memory_space<vmem>> -> memref<1x128xi32, #tpu.memory_space<vmem>>
      %dma_wait3A_363 = tpu.memref_squeeze %dma_wait3A_362 : memref<1x128xi32, #tpu.memory_space<vmem>> -> memref<128xi32, #tpu.memory_space<vmem>>
      %dma_wait3A_364 = arith.constant 0 : i32
      %dma_wait3A_365 = arith.constant 0 : i32
      %dma_wait3A_366 = tpu.memref_slice %arg4[%dma_wait3A_364, %dma_wait3A_365] : memref<100000x64xf32, #tpu.memory_space<hbm>> -> memref<100000x64xf32, #tpu.memory_space<hbm>>
      tpu.wait_indirect_dma semaphore(%arg13 : memref<!tpu.dma_semaphore, #tpu.memory_space<semaphore_mem>>) src(%dma_wait3A_366 : memref<100000x64xf32, #tpu.memory_space<hbm>>) dst(%dma_wait3A_360 : memref<128x64xf32, #tpu.memory_space<vmem>>)
      %dma_wait3A_367 = arith.constant 7 : i32
      %dma_wait3A_368 = arith.constant 0 : i32
      %dma_wait3A_369 = arith.constant 0 : i32
      %dma_wait3A_370 = tpu.memref_slice %arg9[%dma_wait3A_367, %dma_wait3A_368, %dma_wait3A_369] : memref<8x128x64xf32, #tpu.memory_space<vmem>> -> memref<1x128x64xf32, #tpu.memory_space<vmem>>
      %dma_wait3A_371 = tpu.memref_squeeze %dma_wait3A_370 : memref<1x128x64xf32, #tpu.memory_space<vmem>> -> memref<128x64xf32, #tpu.memory_space<vmem>>
      %dma_wait3A_372 = arith.constant 0 : i32
      %dma_wait3A_373 = tpu.memref_slice %arg7[%add3A_322, %dma_wait3A_372] : memref<200x128xi32, #tpu.memory_space<vmem>> -> memref<1x128xi32, #tpu.memory_space<vmem>>
      %dma_wait3A_374 = tpu.memref_squeeze %dma_wait3A_373 : memref<1x128xi32, #tpu.memory_space<vmem>> -> memref<128xi32, #tpu.memory_space<vmem>>
      %dma_wait3A_375 = arith.constant 0 : i32
      %dma_wait3A_376 = arith.constant 0 : i32
      %dma_wait3A_377 = tpu.memref_slice %arg4[%dma_wait3A_375, %dma_wait3A_376] : memref<100000x64xf32, #tpu.memory_space<hbm>> -> memref<100000x64xf32, #tpu.memory_space<hbm>>
      tpu.wait_indirect_dma semaphore(%arg13 : memref<!tpu.dma_semaphore, #tpu.memory_space<semaphore_mem>>) src(%dma_wait3A_377 : memref<100000x64xf32, #tpu.memory_space<hbm>>) dst(%dma_wait3A_371 : memref<128x64xf32, #tpu.memory_space<vmem>>)
      %mul3A_378 = arith.constant 4 : i32
      %mul3A_379 = arith.muli %add3A_268, %mul3A_378 : i32
      %add3A_380 = arith.addi %mul3A_8, %mul3A_379 : i32
      %add3A_381 = arith.constant 0 : i32
      %add3A_382 = arith.addi %add3A_380, %add3A_381 : i32
      %mul3A_383 = arith.constant 128 : i32
      %mul3A_384 = arith.muli %add3A_382, %mul3A_383 : i32
      %dma_start3A_385 = arith.constant 4 : i32
      %dma_start3A_386 = arith.constant 0 : i32
      %dma_start3A_387 = arith.constant 0 : i32
      %dma_start3A_388 = tpu.memref_slice %arg9[%dma_start3A_385, %dma_start3A_386, %dma_start3A_387] : memref<8x128x64xf32, #tpu.memory_space<vmem>> -> memref<1x128x64xf32, #tpu.memory_space<vmem>>
      %dma_start3A_389 = tpu.memref_squeeze %dma_start3A_388 : memref<1x128x64xf32, #tpu.memory_space<vmem>> -> memref<128x64xf32, #tpu.memory_space<vmem>>
      %dma_start3A_390 = arith.constant 0 : i32
      %dma_start3A_391 = tpu.memref_slice %arg6[%mul3A_384, %dma_start3A_390] : memref<819200x64xf32, #tpu.memory_space<hbm>> -> memref<128x64xf32, #tpu.memory_space<hbm>>
      %dma_start3A_392 = arith.constant 0 : i32
      %dma_start3A_393 = tpu.memref_slice %arg6[%mul3A_384, %dma_start3A_392] : memref<819200x64xf32, #tpu.memory_space<hbm>> -> memref<128x64xf32, #tpu.memory_space<hbm>>
      %dma_start3A_394 = arith.constant 0 : i32
      %dma_start3A_395 = arith.constant 0 : i32
      %dma_start3A_396 = tpu.memref_slice %arg9[%dma_start3A_385, %dma_start3A_394, %dma_start3A_395] : memref<8x128x64xf32, #tpu.memory_space<vmem>> -> memref<1x128x64xf32, #tpu.memory_space<vmem>>
      %dma_start3A_397 = tpu.memref_squeeze %dma_start3A_396 : memref<1x128x64xf32, #tpu.memory_space<vmem>> -> memref<128x64xf32, #tpu.memory_space<vmem>>
      tpu.enqueue_dma source(%dma_start3A_397 : memref<128x64xf32, #tpu.memory_space<vmem>>) target(%dma_start3A_393 : memref<128x64xf32, #tpu.memory_space<hbm>>) target_semaphore(%arg15 : memref<!tpu.dma_semaphore, #tpu.memory_space<semaphore_mem>>)
      %mul3A_398 = arith.constant 4 : i32
      %mul3A_399 = arith.muli %add3A_268, %mul3A_398 : i32
      %add3A_400 = arith.addi %mul3A_8, %mul3A_399 : i32
      %add3A_401 = arith.constant 1 : i32
      %add3A_402 = arith.addi %add3A_400, %add3A_401 : i32
      %mul3A_403 = arith.constant 128 : i32
      %mul3A_404 = arith.muli %add3A_402, %mul3A_403 : i32
      %dma_start3A_405 = arith.constant 5 : i32
      %dma_start3A_406 = arith.constant 0 : i32
      %dma_start3A_407 = arith.constant 0 : i32
      %dma_start3A_408 = tpu.memref_slice %arg9[%dma_start3A_405, %dma_start3A_406, %dma_start3A_407] : memref<8x128x64xf32, #tpu.memory_space<vmem>> -> memref<1x128x64xf32, #tpu.memory_space<vmem>>
      %dma_start3A_409 = tpu.memref_squeeze %dma_start3A_408 : memref<1x128x64xf32, #tpu.memory_space<vmem>> -> memref<128x64xf32, #tpu.memory_space<vmem>>
      %dma_start3A_410 = arith.constant 0 : i32
      %dma_start3A_411 = tpu.memref_slice %arg6[%mul3A_404, %dma_start3A_410] : memref<819200x64xf32, #tpu.memory_space<hbm>> -> memref<128x64xf32, #tpu.memory_space<hbm>>
      %dma_start3A_412 = arith.constant 0 : i32
      %dma_start3A_413 = tpu.memref_slice %arg6[%mul3A_404, %dma_start3A_412] : memref<819200x64xf32, #tpu.memory_space<hbm>> -> memref<128x64xf32, #tpu.memory_space<hbm>>
      %dma_start3A_414 = arith.constant 0 : i32
      %dma_start3A_415 = arith.constant 0 : i32
      %dma_start3A_416 = tpu.memref_slice %arg9[%dma_start3A_405, %dma_start3A_414, %dma_start3A_415] : memref<8x128x64xf32, #tpu.memory_space<vmem>> -> memref<1x128x64xf32, #tpu.memory_space<vmem>>
      %dma_start3A_417 = tpu.memref_squeeze %dma_start3A_416 : memref<1x128x64xf32, #tpu.memory_space<vmem>> -> memref<128x64xf32, #tpu.memory_space<vmem>>
      tpu.enqueue_dma source(%dma_start3A_417 : memref<128x64xf32, #tpu.memory_space<vmem>>) target(%dma_start3A_413 : memref<128x64xf32, #tpu.memory_space<hbm>>) target_semaphore(%arg15 : memref<!tpu.dma_semaphore, #tpu.memory_space<semaphore_mem>>)
      %mul3A_418 = arith.constant 4 : i32
      %mul3A_419 = arith.muli %add3A_268, %mul3A_418 : i32
      %add3A_420 = arith.addi %mul3A_8, %mul3A_419 : i32
      %add3A_421 = arith.constant 2 : i32
      %add3A_422 = arith.addi %add3A_420, %add3A_421 : i32
      %mul3A_423 = arith.constant 128 : i32
      %mul3A_424 = arith.muli %add3A_422, %mul3A_423 : i32
      %dma_start3A_425 = arith.constant 6 : i32
      %dma_start3A_426 = arith.constant 0 : i32
      %dma_start3A_427 = arith.constant 0 : i32
      %dma_start3A_428 = tpu.memref_slice %arg9[%dma_start3A_425, %dma_start3A_426, %dma_start3A_427] : memref<8x128x64xf32, #tpu.memory_space<vmem>> -> memref<1x128x64xf32, #tpu.memory_space<vmem>>
      %dma_start3A_429 = tpu.memref_squeeze %dma_start3A_428 : memref<1x128x64xf32, #tpu.memory_space<vmem>> -> memref<128x64xf32, #tpu.memory_space<vmem>>
      %dma_start3A_430 = arith.constant 0 : i32
      %dma_start3A_431 = tpu.memref_slice %arg6[%mul3A_424, %dma_start3A_430] : memref<819200x64xf32, #tpu.memory_space<hbm>> -> memref<128x64xf32, #tpu.memory_space<hbm>>
      %dma_start3A_432 = arith.constant 0 : i32
      %dma_start3A_433 = tpu.memref_slice %arg6[%mul3A_424, %dma_start3A_432] : memref<819200x64xf32, #tpu.memory_space<hbm>> -> memref<128x64xf32, #tpu.memory_space<hbm>>
      %dma_start3A_434 = arith.constant 0 : i32
      %dma_start3A_435 = arith.constant 0 : i32
      %dma_start3A_436 = tpu.memref_slice %arg9[%dma_start3A_425, %dma_start3A_434, %dma_start3A_435] : memref<8x128x64xf32, #tpu.memory_space<vmem>> -> memref<1x128x64xf32, #tpu.memory_space<vmem>>
      %dma_start3A_437 = tpu.memref_squeeze %dma_start3A_436 : memref<1x128x64xf32, #tpu.memory_space<vmem>> -> memref<128x64xf32, #tpu.memory_space<vmem>>
      tpu.enqueue_dma source(%dma_start3A_437 : memref<128x64xf32, #tpu.memory_space<vmem>>) target(%dma_start3A_433 : memref<128x64xf32, #tpu.memory_space<hbm>>) target_semaphore(%arg15 : memref<!tpu.dma_semaphore, #tpu.memory_space<semaphore_mem>>)
      %mul3A_438 = arith.constant 4 : i32
      %mul3A_439 = arith.muli %add3A_268, %mul3A_438 : i32
      %add3A_440 = arith.addi %mul3A_8, %mul3A_439 : i32
      %add3A_441 = arith.constant 3 : i32
      %add3A_442 = arith.addi %add3A_440, %add3A_441 : i32
      %mul3A_443 = arith.constant 128 : i32
      %mul3A_444 = arith.muli %add3A_442, %mul3A_443 : i32
      %dma_start3A_445 = arith.constant 7 : i32
      %dma_start3A_446 = arith.constant 0 : i32
      %dma_start3A_447 = arith.constant 0 : i32
      %dma_start3A_448 = tpu.memref_slice %arg9[%dma_start3A_445, %dma_start3A_446, %dma_start3A_447] : memref<8x128x64xf32, #tpu.memory_space<vmem>> -> memref<1x128x64xf32, #tpu.memory_space<vmem>>
      %dma_start3A_449 = tpu.memref_squeeze %dma_start3A_448 : memref<1x128x64xf32, #tpu.memory_space<vmem>> -> memref<128x64xf32, #tpu.memory_space<vmem>>
      %dma_start3A_450 = arith.constant 0 : i32
      %dma_start3A_451 = tpu.memref_slice %arg6[%mul3A_444, %dma_start3A_450] : memref<819200x64xf32, #tpu.memory_space<hbm>> -> memref<128x64xf32, #tpu.memory_space<hbm>>
      %dma_start3A_452 = arith.constant 0 : i32
      %dma_start3A_453 = tpu.memref_slice %arg6[%mul3A_444, %dma_start3A_452] : memref<819200x64xf32, #tpu.memory_space<hbm>> -> memref<128x64xf32, #tpu.memory_space<hbm>>
      %dma_start3A_454 = arith.constant 0 : i32
      %dma_start3A_455 = arith.constant 0 : i32
      %dma_start3A_456 = tpu.memref_slice %arg9[%dma_start3A_445, %dma_start3A_454, %dma_start3A_455] : memref<8x128x64xf32, #tpu.memory_space<vmem>> -> memref<1x128x64xf32, #tpu.memory_space<vmem>>
      %dma_start3A_457 = tpu.memref_squeeze %dma_start3A_456 : memref<1x128x64xf32, #tpu.memory_space<vmem>> -> memref<128x64xf32, #tpu.memory_space<vmem>>
      tpu.enqueue_dma source(%dma_start3A_457 : memref<128x64xf32, #tpu.memory_space<vmem>>) target(%dma_start3A_453 : memref<128x64xf32, #tpu.memory_space<hbm>>) target_semaphore(%arg15 : memref<!tpu.dma_semaphore, #tpu.memory_space<semaphore_mem>>)
    }
    %scan3A_13 = arith.constant 25 : i32
    %dma_wait3A = arith.constant 4 : i32
    %dma_wait3A_14 = arith.constant 0 : i32
    %dma_wait3A_15 = arith.constant 0 : i32
    %dma_wait3A_16 = tpu.memref_slice %arg9[%dma_wait3A, %dma_wait3A_14, %dma_wait3A_15] : memref<8x128x64xf32, #tpu.memory_space<vmem>> -> memref<1x128x64xf32, #tpu.memory_space<vmem>>
    %dma_wait3A_17 = tpu.memref_squeeze %dma_wait3A_16 : memref<1x128x64xf32, #tpu.memory_space<vmem>> -> memref<128x64xf32, #tpu.memory_space<vmem>>
    %dma_wait3A_18 = arith.constant 0 : i32
    %dma_wait3A_19 = arith.constant 0 : i32
    %dma_wait3A_20 = tpu.memref_slice %arg6[%dma_wait3A_18, %dma_wait3A_19] : memref<819200x64xf32, #tpu.memory_space<hbm>> -> memref<128x64xf32, #tpu.memory_space<hbm>>
    %dma_wait3A_21 = arith.constant 0 : i32
    %dma_wait3A_22 = arith.constant 0 : i32
    %dma_wait3A_23 = tpu.memref_slice %arg6[%dma_wait3A_21, %dma_wait3A_22] : memref<819200x64xf32, #tpu.memory_space<hbm>> -> memref<128x64xf32, #tpu.memory_space<hbm>>
    %dma_wait3A_24 = arith.constant 0 : i32
    %dma_wait3A_25 = arith.constant 0 : i32
    %dma_wait3A_26 = tpu.memref_slice %arg9[%dma_wait3A, %dma_wait3A_24, %dma_wait3A_25] : memref<8x128x64xf32, #tpu.memory_space<vmem>> -> memref<1x128x64xf32, #tpu.memory_space<vmem>>
    %dma_wait3A_27 = tpu.memref_squeeze %dma_wait3A_26 : memref<1x128x64xf32, #tpu.memory_space<vmem>> -> memref<128x64xf32, #tpu.memory_space<vmem>>
    tpu.wait_dma2 semaphore(%arg15 : memref<!tpu.dma_semaphore, #tpu.memory_space<semaphore_mem>>) src(%dma_wait3A_27 : memref<128x64xf32, #tpu.memory_space<vmem>>) dst(%dma_wait3A_23 : memref<128x64xf32, #tpu.memory_space<hbm>>)
    %dma_wait3A_28 = arith.constant 5 : i32
    %dma_wait3A_29 = arith.constant 0 : i32
    %dma_wait3A_30 = arith.constant 0 : i32
    %dma_wait3A_31 = tpu.memref_slice %arg9[%dma_wait3A_28, %dma_wait3A_29, %dma_wait3A_30] : memref<8x128x64xf32, #tpu.memory_space<vmem>> -> memref<1x128x64xf32, #tpu.memory_space<vmem>>
    %dma_wait3A_32 = tpu.memref_squeeze %dma_wait3A_31 : memref<1x128x64xf32, #tpu.memory_space<vmem>> -> memref<128x64xf32, #tpu.memory_space<vmem>>
    %dma_wait3A_33 = arith.constant 0 : i32
    %dma_wait3A_34 = arith.constant 0 : i32
    %dma_wait3A_35 = tpu.memref_slice %arg6[%dma_wait3A_33, %dma_wait3A_34] : memref<819200x64xf32, #tpu.memory_space<hbm>> -> memref<128x64xf32, #tpu.memory_space<hbm>>
    %dma_wait3A_36 = arith.constant 0 : i32
    %dma_wait3A_37 = arith.constant 0 : i32
    %dma_wait3A_38 = tpu.memref_slice %arg6[%dma_wait3A_36, %dma_wait3A_37] : memref<819200x64xf32, #tpu.memory_space<hbm>> -> memref<128x64xf32, #tpu.memory_space<hbm>>
    %dma_wait3A_39 = arith.constant 0 : i32
    %dma_wait3A_40 = arith.constant 0 : i32
    %dma_wait3A_41 = tpu.memref_slice %arg9[%dma_wait3A_28, %dma_wait3A_39, %dma_wait3A_40] : memref<8x128x64xf32, #tpu.memory_space<vmem>> -> memref<1x128x64xf32, #tpu.memory_space<vmem>>
    %dma_wait3A_42 = tpu.memref_squeeze %dma_wait3A_41 : memref<1x128x64xf32, #tpu.memory_space<vmem>> -> memref<128x64xf32, #tpu.memory_space<vmem>>
    tpu.wait_dma2 semaphore(%arg15 : memref<!tpu.dma_semaphore, #tpu.memory_space<semaphore_mem>>) src(%dma_wait3A_42 : memref<128x64xf32, #tpu.memory_space<vmem>>) dst(%dma_wait3A_38 : memref<128x64xf32, #tpu.memory_space<hbm>>)
    %dma_wait3A_43 = arith.constant 6 : i32
    %dma_wait3A_44 = arith.constant 0 : i32
    %dma_wait3A_45 = arith.constant 0 : i32
    %dma_wait3A_46 = tpu.memref_slice %arg9[%dma_wait3A_43, %dma_wait3A_44, %dma_wait3A_45] : memref<8x128x64xf32, #tpu.memory_space<vmem>> -> memref<1x128x64xf32, #tpu.memory_space<vmem>>
    %dma_wait3A_47 = tpu.memref_squeeze %dma_wait3A_46 : memref<1x128x64xf32, #tpu.memory_space<vmem>> -> memref<128x64xf32, #tpu.memory_space<vmem>>
    %dma_wait3A_48 = arith.constant 0 : i32
    %dma_wait3A_49 = arith.constant 0 : i32
    %dma_wait3A_50 = tpu.memref_slice %arg6[%dma_wait3A_48, %dma_wait3A_49] : memref<819200x64xf32, #tpu.memory_space<hbm>> -> memref<128x64xf32, #tpu.memory_space<hbm>>
    %dma_wait3A_51 = arith.constant 0 : i32
    %dma_wait3A_52 = arith.constant 0 : i32
    %dma_wait3A_53 = tpu.memref_slice %arg6[%dma_wait3A_51, %dma_wait3A_52] : memref<819200x64xf32, #tpu.memory_space<hbm>> -> memref<128x64xf32, #tpu.memory_space<hbm>>
    %dma_wait3A_54 = arith.constant 0 : i32
    %dma_wait3A_55 = arith.constant 0 : i32
    %dma_wait3A_56 = tpu.memref_slice %arg9[%dma_wait3A_43, %dma_wait3A_54, %dma_wait3A_55] : memref<8x128x64xf32, #tpu.memory_space<vmem>> -> memref<1x128x64xf32, #tpu.memory_space<vmem>>
    %dma_wait3A_57 = tpu.memref_squeeze %dma_wait3A_56 : memref<1x128x64xf32, #tpu.memory_space<vmem>> -> memref<128x64xf32, #tpu.memory_space<vmem>>
    tpu.wait_dma2 semaphore(%arg15 : memref<!tpu.dma_semaphore, #tpu.memory_space<semaphore_mem>>) src(%dma_wait3A_57 : memref<128x64xf32, #tpu.memory_space<vmem>>) dst(%dma_wait3A_53 : memref<128x64xf32, #tpu.memory_space<hbm>>)
    %dma_wait3A_58 = arith.constant 7 : i32
    %dma_wait3A_59 = arith.constant 0 : i32
    %dma_wait3A_60 = arith.constant 0 : i32
    %dma_wait3A_61 = tpu.memref_slice %arg9[%dma_wait3A_58, %dma_wait3A_59, %dma_wait3A_60] : memref<8x128x64xf32, #tpu.memory_space<vmem>> -> memref<1x128x64xf32, #tpu.memory_space<vmem>>
    %dma_wait3A_62 = tpu.memref_squeeze %dma_wait3A_61 : memref<1x128x64xf32, #tpu.memory_space<vmem>> -> memref<128x64xf32, #tpu.memory_space<vmem>>
    %dma_wait3A_63 = arith.constant 0 : i32
    %dma_wait3A_64 = arith.constant 0 : i32
    %dma_wait3A_65 = tpu.memref_slice %arg6[%dma_wait3A_63, %dma_wait3A_64] : memref<819200x64xf32, #tpu.memory_space<hbm>> -> memref<128x64xf32, #tpu.memory_space<hbm>>
    %dma_wait3A_66 = arith.constant 0 : i32
    %dma_wait3A_67 = arith.constant 0 : i32
    %dma_wait3A_68 = tpu.memref_slice %arg6[%dma_wait3A_66, %dma_wait3A_67] : memref<819200x64xf32, #tpu.memory_space<hbm>> -> memref<128x64xf32, #tpu.memory_space<hbm>>
    %dma_wait3A_69 = arith.constant 0 : i32
    %dma_wait3A_70 = arith.constant 0 : i32
    %dma_wait3A_71 = tpu.memref_slice %arg9[%dma_wait3A_58, %dma_wait3A_69, %dma_wait3A_70] : memref<8x128x64xf32, #tpu.memory_space<vmem>> -> memref<1x128x64xf32, #tpu.memory_space<vmem>>
    %dma_wait3A_72 = tpu.memref_squeeze %dma_wait3A_71 : memref<1x128x64xf32, #tpu.memory_space<vmem>> -> memref<128x64xf32, #tpu.memory_space<vmem>>
    tpu.wait_dma2 semaphore(%arg15 : memref<!tpu.dma_semaphore, #tpu.memory_space<semaphore_mem>>) src(%dma_wait3A_72 : memref<128x64xf32, #tpu.memory_space<vmem>>) dst(%dma_wait3A_68 : memref<128x64xf32, #tpu.memory_space<hbm>>)
    return
  }
}

</mosaic_0001>

<sc_bundles>
// kernel: kernel.3.cloned.1.call-start
scs
__scs_entry_jumppad:
0x0: {  	(pc) =	sbr.rel $0x88, $3  }
0x1: {  	(tag) =	ssettag $0x0;
	lr =	simm.s32 $0x1  }
0x2: {  	[smem:$0x3F9D] =	sst lr;
	_ =	strace $0xD0000000  }
0x3: {  	_ = 	snop  }
0x4: {  	_ = 	snop  }
0x5: {  	_ = 	snop  }
0x6: {  	_ = 	snop  }
0x7: {  	_ = 	snop  }
__scs_overlays_trampoline_lowered:
0x8: {  	[smem:$0x3FAC] =	sst s0  }
0x9: {  	[smem:$0x3FAD] =	sst s1  }
0xa: {  	[smem:$0x3FAE] =	sst s2  }
0xb: {  	[smem:$0x3FAF] =	sst s3  }
0xc: {  	[smem:$0x3FB0] =	sst s4  }
0xd: {  	[smem:$0x3FB1] =	sst s5  }
0xe: {  	[smem:$0x3FB2] =	sst s6  }
0xf: {  	[smem:$0x3FB3] =	sst s7  }
0x10: {  	[smem:$0x3FB4] =	sst s8  }
0x11: {  	[smem:$0x3FB5] =	sst s9;
	s0 =	simm.s32 @!p0 $0x0  }
0x12: {  	s1 =	sld [smem:$0x3F9B];
	s0 =	simm.s32 @p0 $0x1  }
0x13: {  	[smem:$0x3FB6] =	sst s0;
	s0 =	simm.s32 @!p1 $0x0  }
0x14: {  	s2 =	sld [smem:$0x3F9A];
	s0 =	simm.s32 @p1 $0x1  }
0x15: {  	[smem:$0x3FB7] =	sst s0;
	s0 =	simm.s32 @!p2 $0x0  }
0x16: {  	s3 =	sld [smem:$0x3FDB];
	s0 =	simm.s32 @p2 $0x1  }
0x17: {  	s4 =	simm.s32 $0x1BF5;
	[smem:$0x3FB9] =	sst s0  }
0x18: {  	s0 =	sld [smem:$0x3F9C];
	_ =	swait.ge [sflag:s4], $0x0  }
0x19: {  	s7 =	sld [smem:$0x3F9D]  }
0x1a: {  	s8 =	sadd.s32 $0xFFFFE003, lr  }
0x1b: {  	s9 =	sadd.s32 $0xFFFFFEF7, lr;
	s5 =	simm.s32 $0xFFFFFFFF;
	p2 =	slt.u32 s8, $0xFFFFF086  }
0x1c: {  	p1 =	slt.u32 s9, $0xF7A;
	s5 =	simm.s32 @!p2 $0x0  }
0x1d: {  	s5 =	simm.s32 @p1 $0x1;
	p0 =	seq.s32 s7, s2  }
0x1e: {  	s7 =	smul.u32 @!p0 $0xF7A, s2;
	p2 =	seq.s32 @!p0 s5, $0x0  }
0x1f: {  	s9 =	smul.u32 $0xF7A, s1;
	s8 =	simm.s32 @!p0 $0x1BF5;
	p2 =	por !p2, p0  }
0x20: {  	[sflag:s8] =	ssyncset.s32 @!p0 $0xFFFFF086;
	s6 =	sadd.s32 @!p0 s3, s7;
	s7 =	simm.s32 @!p0 $0x108  }
0x21: {  	s3 =	sadd.s32 s3, s9;
	s6 =	sadd.s32 @!p0 $0x88, s6;
	s7 =	simm.s32 @p2 $0x1082  }
0x22: {  	[simem:s7], [sflag:s8] =	dma.local @!p0 [hbm:s6], $0xF7A  }
0x23: {  	s9 =	sor.u32 $0xD0000000, s2;
	s6 =	simm.s32 $0x108;
	_ =	swait.ge @!p0 [sflag:s8], $0x0  }
0x24: {  	s3 =	sadd.s32 $0x88, s3;
	s6 =	simm.s32 @!p1 $0x1082;
	[sflag:s4] =	ssyncset.s32 $0xFFFFF086  }
0x25: {  	[simem:s6], [sflag:s4] =	dma.local [hbm:s3], $0xF7A  }
0x26: {  	[smem:$0x3F9D] =	sst s1;
	(tag) =	ssettag s2;
	_ =	strace s9  }
0x27: {  	s1 =	sld [smem:$0x3FAD]  }
0x28: {  	s2 =	sld [smem:$0x3FAE]  }
0x29: {  	s4 =	sld [smem:$0x3FB0]  }
0x2a: {  	p0 =	seq.s32 s5, $0x0;
	s5 =	sld [smem:$0x3FB1]  }
0x2b: {  	s6 =	sld [smem:$0x3FB2]  }
0x2c: {  	s7 =	sld [smem:$0x3FB3]  }
0x2d: {  	s3 =	simm.s32 $0x108;
	s8 =	sld [smem:$0x3FB4]  }
0x2e: {  	s3 =	simm.s32 @!p0 $0x1082;
	s9 =	sld [smem:$0x3FB5]  }
0x2f: {  	lr =	sadd.s32 s0, s3;
	s0 =	sld [smem:$0x3FAC]  }
0x30: {  	s3 =	sld [smem:$0x3FAF]  }
0x31: {  	[smem:$0x3FB8] =	sst s10  }
0x32: {  	s10 =	sld [smem:$0x3FB6];
	_ =	sdelay $0x3  }
0x33: {  	p0 =	seq.s32 s10, $0x1;
	s10 =	sld [smem:$0x3FB8];
	_ =	sdelay $0x3  }
0x34: {  	[smem:$0x3FB8] =	sst s10  }
0x35: {  	s10 =	sld [smem:$0x3FB7];
	_ =	sdelay $0x3  }
0x36: {  	p1 =	seq.s32 s10, $0x1;
	s10 =	sld [smem:$0x3FB8];
	_ =	sdelay $0x3  }
0x37: {  	[smem:$0x3FB8] =	sst s10  }
0x38: {  	s10 =	sld [smem:$0x3FB9]  }
0x39: {  	_ = 	snop;
	(pc) =	sbr.ind lr, $3  }
0x3a: {  	_ = 	snop  }
0x3b: {  	_ = 	snop  }
0x3c: {  	p2 =	seq.s32 s10, $0x1;
	s10 =	sld [smem:$0x3FB8]  }
0x3d: {  	_ =	shalt  }
0x3e: {  	_ =	shalt  }
0x3f: {  	_ =	shalt  }
0x40: {  	_ =	shalt  }
0x41: {  	_ =	shalt  }
0x42: {  	_ =	shalt  }
0x43: {  	_ =	shalt  }
0x44: {  	_ =	shalt  }
0x45: {  	_ =	shalt  }
0x46: {  	_ =	shalt  }
0x47: {  	_ =	shalt  }
0x48: {  	_ =	shalt  }
0x49: {  	_ =	shalt  }
0x4a: {  	_ =	shalt  }
0x4b: {  	_ =	shalt  }
0x4c: {  	_ =	shalt  }
0x4d: {  	_ =	shalt  }
0x4e: {  	_ =	shalt  }
0x4f: {  	_ =	shalt  }
0x50: {  	_ =	shalt  }
0x51: {  	_ =	shalt  }
0x52: {  	_ =	shalt  }
0x53: {  	_ =	shalt  }
0x54: {  	_ =	shalt  }
0x55: {  	_ =	shalt  }
0x56: {  	_ =	shalt  }
0x57: {  	_ =	shalt  }
0x58: {  	_ =	shalt  }
0x59: {  	_ =	shalt  }
0x5a: {  	_ =	shalt  }
0x5b: {  	_ =	shalt  }
0x5c: {  	_ =	shalt  }
0x5d: {  	_ =	shalt  }
0x5e: {  	_ =	shalt  }
0x5f: {  	_ =	shalt  }
0x60: {  	_ =	shalt  }
0x61: {  	_ =	shalt  }
0x62: {  	_ =	shalt  }
0x63: {  	_ =	shalt  }
0x64: {  	_ =	shalt  }
0x65: {  	_ =	shalt  }
0x66: {  	_ =	shalt  }
0x67: {  	_ =	shalt  }
0x68: {  	_ =	shalt  }
0x69: {  	_ =	shalt  }
0x6a: {  	_ =	shalt  }
0x6b: {  	_ =	shalt  }
0x6c: {  	_ =	shalt  }
0x6d: {  	_ =	shalt  }
0x6e: {  	_ =	shalt  }
0x6f: {  	_ =	shalt  }
0x70: {  	_ =	shalt  }
0x71: {  	_ =	shalt  }
0x72: {  	_ =	shalt  }
0x73: {  	_ =	shalt  }
0x74: {  	_ =	shalt  }
0x75: {  	_ =	shalt  }
0x76: {  	_ =	shalt  }
0x77: {  	_ =	shalt  }
0x78: {  	_ =	shalt  }
0x79: {  	_ =	shalt  }
0x7a: {  	_ =	shalt  }
0x7b: {  	_ =	shalt  }
0x7c: {  	_ =	shalt  }
0x7d: {  	_ =	shalt  }
0x7e: {  	_ =	shalt  }
0x7f: {  	_ =	shalt  }
0x80: {  	_ =	shalt  }
0x81: {  	_ =	shalt  }
0x82: {  	_ =	shalt  }
0x83: {  	_ =	shalt  }
0x84: {  	_ =	shalt  }
0x85: {  	_ =	shalt  }
0x86: {  	_ =	shalt  }
0x87: {  	_ =	shalt  }
.Lfunc_end0:
.L_simem_size_0:
called_computation.1_lowered:
.L_overlay_start_0:
0x88: {  	s2 =	sld [smem:$0x3FD9]  }
0x89: {  	s3 =	sld [smem:$0x3FFE];
	_ =	sdelay $0x1  }
0x8a: {  	s1 =	srdreg.scid  }
0x8b: {  	s0 =	sand.u32 $0x1, s1  }
0x8c: {  	s17 =	sshll.u32 s0, $0xA;
	s2 =	sadd.s32 s3, s2  }
0x8d: {  	s2 =	sadd.s32 s2, s17  }
0x8e: {  	[smem:$0x3FC4] =	sst s2  }
0x8f: {  	_ = 	snop  }
0x90: {  	s2 =	sld [smem:$0x3FD0];
	(tm) =	ssettm $0x1  }
0x91: {  	s18 =	sld [smem:$0x3FFB];
	_ =	sdelay $0x3  }
0x92: {  	_ =	strace s18  }
0x93: {  	s3 =	sld [smem:$0x3FFC];
	_ =	sdelay $0x3  }
0x94: {  	_ =	strace s3  }
0x95: {  	s3 =	sld [smem:$0x3FFD];
	_ =	sdelay $0x3  }
0x96: {  	_ =	strace s3  }
0x97: {  	_ =	strace $0x8FFFFFFF  }
0x98: {  	s19 =	sld [smem:$0x3FDB];
	_ =	sdelay $0x1  }
0x99: {  	s4 =	simm.s32 $_scs_section_size  }
0x9a: {  	s5 =	simm.s32 $_size__tile_overlayer_lowered;
	s6 =	simm.s32 $_tile_overlayer_lowered  }
0x9b: {  	s22 =	simm.s32 $0x1BFF;
	s21 =	sshll.u32 s6, $0x1;
	s3 =	sadd.s32 s4, s19  }
0x9c: {  	s7 =	simm.s32 $0x0;
	s20 =	sshll.u32 s5, $0x1;
	s5 =	sadd.s32 s21, s3  }
0x9d: {  	[timem:s7], [sflag:s22] =	dma.local [hbm:s5], s20  }
0x9e: {  	_ =	swait.ge [sflag:s22], s20  }
0x9f: {  	s4 =	ssub.s32 $0x0, s20;
	[sflag:s22] =	ssyncset.done $0x0  }
0xa0: {  	[sflag:s22] =	ssyncadd.s32 s4;
	_ =	sdelay $0x1  }
0xa1: {  	s23 =	simm.s32 $0x1B8B  }
0xa2: {  	_ =	swait.ge [sflag:s23], $0x1  }
0xa3: {  	[sflag:s23] =	ssyncset.done $0x0  }
0xa4: {  	s25 =	simm.s32 $0x1B8E;
	s24 =	sld [smem:$0x3FFE];
	[sflag:s23] =	ssyncadd.s32 $0xFFFFFFFF  }
0xa5: {  	s26 =	simm.s32 $execute0_lowered;
	[smem:$0x3FD2] =	sst s25  }
0xa6: {  	s5 =	sshll.u32 s26, $0x1;
	_ =	strace $0x80000046;
	[dreg:$0x1] =	wrdreg $0xFFFFFFFF  }
0xa7: {  	s28 =	simm.s32 $_size_execute0_lowered;
	s3 =	sadd.s32 s3, s5;
	[dreg:$0x0] =	wrdreg $0x0  }
0xa8: {  	s5 =	sshll.u32 s28, $0x1;
	[dreg:$0x2] =	wrdreg s3  }
0xa9: {  	[dreg:$0x3] =	wrdreg s5  }
0xaa: {  	[dreg:$0x4] =	wrdreg $0xC0  }
0xab: {  	_ =	task [dreg:s7], $0x5FFFF  }
0xac: {  	[dreg:$0x1] =	wrdreg $0xFFFFFFFF  }
0xad: {  	[dreg:$0x0] =	wrdreg $0x60  }
0xae: {  	[dreg:$0x2] =	wrdreg s24  }
0xaf: {  	[dreg:$0x3] =	wrdreg s2  }
0xb0: {  	[dreg:$0x4] =	wrdreg $0x1C8000  }
0xb1: {  	[dreg:$0x5] =	wrdreg $0x9  }
0xb2: {  	_ =	task.clear_ibuf [dreg:s7], $0x6FFFF;
	_ =	strace $0x90000046  }
0xb3: {  	s29 =	simm.s32 $0x9;
	_ =	strace $0x80000048  }
0xb4: {  	_ =	swait.ge [sflag:s29], $0x1  }
0xb5: {  	[sflag:s29] =	ssyncadd.s32 $0xFFFFFFFF  }
0xb6: {  	_ =	strace $0x90000048  }
0xb7: {  	_ =	sfence  }
0xb8: {  	s30 =	sld [smem:$0x0];
	_ =	sdelay $0x2  }
0xb9: {  	s31 =	sshll.u32 s1, $0xD;
	s1 =	sshrl.u32 s1, $0x2  }
0xba: {  	s3 =	sand.u32 $0x4000, s31;
	s1 =	sadd.s32 s1, s30  }
0xbb: {  	s0 =	sor.u32 s3, s0;
	s1 =	sshll.u32 s1, $0x11  }
0xbc: {  	s0 =	sor.u32 s1, s0  }
0xbd: {  	s0 =	sadd.s32 $0x8F2B, s0  }
0xbe: {  	[sflag:s0] =	ssyncadd.remote.s32 $0x1  }
0xbf: {  	_ =	sfence.sel $0xFFFF  }
0xc0: {  	[dreg:$0x0] =	wrdreg $0xFFFFFFFF;
	(pc) =	sbr.abs _section_cstart, $3  }
0xc1: {  	[dreg:$0x1] =	wrdreg $0xFFFFFFFF  }
0xc2: {  	_ =	task.clear_ibuf [dreg:s7], $0x2FFFF;
	_ =	strace $0x9FFFFFFF  }
0xc3: {  	(tm) =	ssettm $0x7FFFFFFF  }
tec
execute0_lowered:
.L_overlay_start_1:
0x0: {  	(tag) =	ssettag $0x1  }
0x1: {  	s4 =	rddreg [dreg:$0x0];
	s0 =	srdreg.scid  }
0x2: {  	s7 =	stileid.u32;
	s1 =	rddreg [dreg:$0x1]  }
0x3: {  	s8 =	rddreg [dreg:$0x2];
	s2 =	simm.s32 $0x0;
	s14 =	simm.s32 $0x10800  }
0x4: {  	s15 =	simm.s32 $0x12800;
	s16 =	simm.s32 $0x1;
	s17 =	simm.s32 $0x2  }
0x5: {  	s18 =	simm.s32 $0x14800;
	s19 =	simm.s32 $0x16800;
	s20 =	simm.s32 $0x18800  }
0x6: {  	s21 =	simm.s32 $0x1A800;
	s22 =	simm.s32 $0x3;
	s23 =	simm.s32 $0x0  }
0x7: {  	s5 =	sand.u32 $0x1, s0;
	s0 =	rddreg [dreg:$0x3];
	s6 =	smul.u32 $0x190, s7  }
0x8: {  	s26 =	sshll.u32 s7, $0x1;
	[smem:$0x7FF] =	sst s2;
	s28 =	smul.u32 $0x64000, s7  }
0x9: {  	p0 =	sne.s32 s7, $0x0;
	s3 =	sor.u32 s5, s26;
	s10 =	smul.u32 $0xC8, s5  }
0xa: {  	_ =	strace $0x80000047;
	s11 =	ssub.s32 $0x2, s5;
	s13 =	smul.u32 $0x32000, s5  }
0xb: {  	s8 =	sshrl.u32 @!p0 s8, $0x3;
	s3 =	smul.u32 $0xC80, s3;
	s12 =	sshrl.u32 s11, $0x1  }
0xc: {  	s6 =	sadd.s32 s10, s6;
	s11 =	ssub.s32 s11, s12;
	s31 =	sadd.s32 s13, s28  }
0xd: {  	s10 =	simm.s32 $0x6400;
	s12 =	simm.s32 $0xC800;
	s13 =	simm.s32 $0xE800  }
0xe: {  	s9 =	sadd.s32 s3, s4;
	s3 =	sadd.s32 $0x33200, s4;
	s4 =	sadd.s32 $0xA00, s4  }
0xf: {  	s29 =	sshll.u32 s6, $0xA;
	s7 =	smax.u32 s11, $0x1;
	[dreg:$0x4] =	wrdreg s31  }
0x10: {  	s11 =	simm.s32 $0x80;
	s5 =	sadd.s32 $0x1200, s9;
	s30 =	sor.u32 $0x1000, s29  }
0x11: {  	s6 =	sadd.s32 $0x1A200, s9;
	s9 =	simm.s32 $0x4;
	[dreg:$0x5] =	wrdreg s30  }
.LBB2_1:
0x12: {  	s24 =	simm.s32 @!p0 $0x1C04  }
0x13: {  	[spmem:s8], [sflag:s24] =	dma.local @!p0 [hbm:s4], $0x640  }
0x14: {  	s24 =	simm.s32 @!p0 $0x4  }
0x15: {  	_ =	swait.ge @!p0 [sflag:s24], $0x640  }
0x16: {  	[sflag:s24] =	ssyncset.done @!p0 $0x0  }
0x17: {  	[sflag:s24] =	ssyncadd.s32 @!p0 $0xFFFFF9C0  }
0x18: {  	[tilespmem:s2], [sflag:$0x4] =	stream.linear.gather [hbm4b:s5+s2], $0x6400, $0x38;
	[tilespmem:$0x1CB20] =	vst v63  }
0x19: {  	_ =	swait.ge [sflag:s9], $0x6400  }
0x1a: {  	[sflag:s9] =	ssyncset.done $0x0  }
0x1b: {  	[sflag:s9] =	ssyncadd.s32 $0xFFFF9C00  }
0x1c: {  	[tilespmem:s10], [sflag:$0x4] =	stream.linear.gather [hbm4b:s6+s2], $0x6400, $0x38;
	[tilespmem:$0x1CB20] =	vst v63  }
0x1d: {  	_ =	swait.ge [sflag:s9], $0x6400  }
0x1e: {  	p1 =	por $0x1, $0x1;
	[sflag:s9] =	ssyncset.done $0x0  }
0x1f: {  	p1 =	por p1, p1;
	[sflag:s9] =	ssyncadd.s32 $0xFFFF9C00  }
0x20: {  	s24 =	simm.s32 @!p1 $0x3;
	[bflag:$0x0] =	sbarrier.arrive $0xFFFF  }
0x21: {  	_ =	swait.ge @!p1 [sflag:s24], $0x2000  }
0x22: {  	[sflag:s24] =	ssyncset.done @!p1 $0x0  }
0x23: {  	[sflag:s24] =	ssyncadd.s32 @!p1 $0xFFFFE000  }
0x24: {  	_ =	swait.ge @!p1 [sflag:s24], $0x2000  }
0x25: {  	[sflag:s24] =	ssyncset.done @!p1 $0x0  }
0x26: {  	[sflag:s24] =	ssyncadd.s32 @!p1 $0xFFFFE000  }
0x27: {  	_ =	swait.ge @!p1 [sflag:s24], $0x2000  }
0x28: {  	[sflag:s24] =	ssyncset.done @!p1 $0x0  }
0x29: {  	[sflag:s24] =	ssyncadd.s32 @!p1 $0xFFFFE000  }
0x2a: {  	_ =	swait.ge @!p1 [sflag:s24], $0x2000  }
0x2b: {  	[sflag:s24] =	ssyncset.done @!p1 $0x0  }
0x2c: {  	s29 =	simm.s32 $0x0;
	[sflag:s24] =	ssyncadd.s32 @!p1 $0xFFFFE000  }
0x2d: {  	[tilespmem:s12], [sflag:$0x1] =	stream.indirect.gather [hbm4b:s3+s11], $0x40, s29, s11, $0xb8;
	[tilespmem:$0x1CB20] =	vst v63  }
0x2e: {  	s30 =	simm.s32 $0x80  }
0x2f: {  	[tilespmem:s13], [sflag:$0x1] =	stream.indirect.gather [hbm4b:s3+s11], $0x40, s30, s11, $0xb8;
	[tilespmem:$0x1CB20] =	vst v63  }
0x30: {  	s31 =	simm.s32 $0x100  }
0x31: {  	[tilespmem:s14], [sflag:$0x1] =	stream.indirect.gather [hbm4b:s3+s11], $0x40, s31, s11, $0xb8;
	[tilespmem:$0x1CB20] =	vst v63  }
0x32: {  	s25 =	simm.s32 $0x180  }
0x33: {  	[tilespmem:s15], [sflag:$0x1] =	stream.indirect.gather [hbm4b:s3+s11], $0x40, s25, s11, $0xb8;
	[tilespmem:$0x1CB20] =	vst v63  }
0x34: {  	_ =	swait.ge [sflag:s16], $0x2000  }
0x35: {  	[sflag:s16] =	ssyncset.done $0x0  }
0x36: {  	[sflag:s16] =	ssyncadd.s32 $0xFFFFE000  }
0x37: {  	_ =	swait.ge [sflag:s16], $0x2000  }
0x38: {  	[sflag:s16] =	ssyncset.done $0x0  }
0x39: {  	[sflag:s16] =	ssyncadd.s32 $0xFFFFE000  }
0x3a: {  	_ =	swait.ge [sflag:s16], $0x2000  }
0x3b: {  	[sflag:s16] =	ssyncset.done $0x0  }
0x3c: {  	[sflag:s16] =	ssyncadd.s32 $0xFFFFE000  }
0x3d: {  	_ =	swait.ge [sflag:s16], $0x2000  }
0x3e: {  	s26 =	rddreg [dreg:$0x4];
	[sflag:s16] =	ssyncset.done $0x0  }
0x3f: {  	[sflag:s16] =	ssyncadd.s32 $0xFFFFE000;
	s24 =	sadd.s32 s1, s26  }
0x40: {  	[hbm4b:s24+s2] =	stream.linear.scatter [tilespmem:s12], [sflag:$0x2], $0x2000, $0x38;
	[tilespmem:$0x1CB20] =	vst v63  }
0x41: {  	s25 =	sadd.s32 $0x400, s24  }
0x42: {  	[hbm4b:s25+s2] =	stream.linear.scatter [tilespmem:s13], [sflag:$0x2], $0x2000, $0x38;
	[tilespmem:$0x1CB20] =	vst v63  }
0x43: {  	s29 =	sadd.s32 $0x800, s24  }
0x44: {  	[hbm4b:s29+s2] =	stream.linear.scatter [tilespmem:s14], [sflag:$0x2], $0x2000, $0x38;
	[tilespmem:$0x1CB20] =	vst v63  }
0x45: {  	s24 =	sadd.s32 $0xC00, s24  }
0x46: {  	[hbm4b:s24+s2] =	stream.linear.scatter [tilespmem:s15], [sflag:$0x2], $0x2000, $0x38;
	[tilespmem:$0x1CB20] =	vst v63  }
0x47: {  	_ =	swait.ge [sflag:s17], $0x2000  }
0x48: {  	[sflag:s17] =	ssyncset.done $0x0  }
0x49: {  	[sflag:s17] =	ssyncadd.s32 $0xFFFFE000  }
0x4a: {  	_ =	swait.ge [sflag:s17], $0x2000  }
0x4b: {  	[sflag:s17] =	ssyncset.done $0x0  }
0x4c: {  	[sflag:s17] =	ssyncadd.s32 $0xFFFFE000  }
0x4d: {  	_ =	swait.ge [sflag:s17], $0x2000  }
0x4e: {  	[sflag:s17] =	ssyncset.done $0x0  }
0x4f: {  	[sflag:s17] =	ssyncadd.s32 $0xFFFFE000  }
0x50: {  	_ =	swait.ge [sflag:s17], $0x2000  }
0x51: {  	[sflag:s17] =	ssyncset.done $0x0  }
0x52: {  	s30 =	simm.s32 $0x200;
	[sflag:s17] =	ssyncadd.s32 $0xFFFFE000  }
0x53: {  	[tilespmem:s18], [sflag:$0x1] =	stream.indirect.gather [hbm4b:s3+s11], $0x40, s30, s11, $0xb8;
	[tilespmem:$0x1CB20] =	vst v63  }
0x54: {  	s31 =	simm.s32 $0x280  }
0x55: {  	[tilespmem:s19], [sflag:$0x1] =	stream.indirect.gather [hbm4b:s3+s11], $0x40, s31, s11, $0xb8;
	[tilespmem:$0x1CB20] =	vst v63  }
0x56: {  	s25 =	simm.s32 $0x300  }
0x57: {  	[tilespmem:s20], [sflag:$0x1] =	stream.indirect.gather [hbm4b:s3+s11], $0x40, s25, s11, $0xb8;
	[tilespmem:$0x1CB20] =	vst v63  }
0x58: {  	s26 =	simm.s32 $0x380  }
0x59: {  	[tilespmem:s21], [sflag:$0x1] =	stream.indirect.gather [hbm4b:s3+s11], $0x40, s26, s11, $0xb8;
	[tilespmem:$0x1CB20] =	vst v63  }
0x5a: {  	_ =	swait.ge [sflag:s16], $0x2000  }
0x5b: {  	[sflag:s16] =	ssyncset.done $0x0  }
0x5c: {  	[sflag:s16] =	ssyncadd.s32 $0xFFFFE000  }
0x5d: {  	_ =	swait.ge [sflag:s16], $0x2000  }
0x5e: {  	[sflag:s16] =	ssyncset.done $0x0  }
0x5f: {  	[sflag:s16] =	ssyncadd.s32 $0xFFFFE000  }
0x60: {  	_ =	swait.ge [sflag:s16], $0x2000  }
0x61: {  	[sflag:s16] =	ssyncset.done $0x0  }
0x62: {  	[sflag:s16] =	ssyncadd.s32 $0xFFFFE000  }
0x63: {  	_ =	swait.ge [sflag:s16], $0x2000  }
0x64: {  	p6 =	por $0x0, $0x0;
	s29 =	rddreg [dreg:$0x5];
	[sflag:s16] =	ssyncset.done $0x0  }
0x65: {  	p1 =	por p6, p6;
	[sflag:s16] =	ssyncadd.s32 $0xFFFFE000;
	s24 =	sadd.s32 s1, s29  }
0x66: {  	[hbm4b:s24+s2] =	stream.linear.scatter [tilespmem:s18], [sflag:$0x3], $0x2000, $0x38;
	[tilespmem:$0x1CB20] =	vst v63  }
0x67: {  	s25 =	simm.s32 $0x1000;
	s26 =	simm.s32 $0x2000;
	s30 =	sadd.s32 $0x400, s24  }
0x68: {  	[hbm4b:s30+s2] =	stream.linear.scatter [tilespmem:s19], [sflag:$0x3], $0x2000, $0x38;
	[tilespmem:$0x1CB20] =	vst v63  }
0x69: {  	s31 =	sadd.s32 $0x800, s24;
	s28 =	sadd.s32 $0xC00, s24;
	s24 =	sadd.s32 $0x2000, s1  }
0x6a: {  	[hbm4b:s31+s2] =	stream.linear.scatter [tilespmem:s20], [sflag:$0x3], $0x2000, $0x38;
	[tilespmem:$0x1CB20] =	vst v63  }
.LBB2_2:
0x6b: {  	[hbm4b:s28+s2] =	stream.linear.scatter [tilespmem:s21], [sflag:$0x3], $0x2000, $0x38;
	[tilespmem:$0x1CB20] =	vst v63  }
0x6c: {  	s28 =	simm.s32 @!p1 $0x3  }
0x6d: {  	_ =	swait.ge @!p1 [sflag:s28], $0x2000  }
0x6e: {  	[sflag:s28] =	ssyncset.done @!p1 $0x0  }
0x6f: {  	[sflag:s28] =	ssyncadd.s32 @!p1 $0xFFFFE000  }
0x70: {  	_ =	swait.ge @!p1 [sflag:s28], $0x2000  }
0x71: {  	[sflag:s28] =	ssyncset.done @!p1 $0x0  }
0x72: {  	[sflag:s28] =	ssyncadd.s32 @!p1 $0xFFFFE000  }
0x73: {  	_ =	swait.ge @!p1 [sflag:s28], $0x2000  }
0x74: {  	[sflag:s28] =	ssyncset.done @!p1 $0x0  }
0x75: {  	[sflag:s28] =	ssyncadd.s32 @!p1 $0xFFFFE000  }
0x76: {  	_ =	swait.ge @!p1 [sflag:s28], $0x2000  }
0x77: {  	[sflag:s28] =	ssyncset.done @!p1 $0x0  }
0x78: {  	[sflag:s28] =	ssyncadd.s32 @!p1 $0xFFFFE000;
	s28 =	sshra.s32 s25, $0x2  }
0x79: {  	[tilespmem:s12], [sflag:$0x1] =	stream.indirect.gather [hbm4b:s3+s11], $0x40, s28, s11, $0xb8;
	[tilespmem:$0x1CB20] =	vst v63  }
0x7a: {  	s31 =	sadd.s32 $0x80, s28  }
0x7b: {  	[tilespmem:s13], [sflag:$0x1] =	stream.indirect.gather [hbm4b:s3+s11], $0x40, s31, s11, $0xb8;
	[tilespmem:$0x1CB20] =	vst v63  }
0x7c: {  	s30 =	sadd.s32 $0x100, s28  }
0x7d: {  	[tilespmem:s14], [sflag:$0x1] =	stream.indirect.gather [hbm4b:s3+s11], $0x40, s30, s11, $0xb8;
	[tilespmem:$0x1CB20] =	vst v63  }
0x7e: {  	s31 =	sadd.s32 $0x180, s28  }
0x7f: {  	[tilespmem:s15], [sflag:$0x1] =	stream.indirect.gather [hbm4b:s3+s11], $0x40, s31, s11, $0xb8;
	[tilespmem:$0x1CB20] =	vst v63  }
0x80: {  	_ =	swait.ge [sflag:s16], $0x2000  }
0x81: {  	[sflag:s16] =	ssyncset.done $0x0  }
0x82: {  	[sflag:s16] =	ssyncadd.s32 $0xFFFFE000  }
0x83: {  	_ =	swait.ge [sflag:s16], $0x2000  }
0x84: {  	[sflag:s16] =	ssyncset.done $0x0  }
0x85: {  	[sflag:s16] =	ssyncadd.s32 $0xFFFFE000  }
0x86: {  	_ =	swait.ge [sflag:s16], $0x2000  }
0x87: {  	[sflag:s16] =	ssyncset.done $0x0  }
0x88: {  	[sflag:s16] =	ssyncadd.s32 $0xFFFFE000  }
0x89: {  	s29 =	smov.u32 s26;
	_ =	swait.ge [sflag:s16], $0x2000  }
0x8a: {  	p3 =	seq.s32 s29, $0x0;
	s30 =	rddreg [dreg:$0x4];
	[sflag:s16] =	ssyncset.done $0x0  }
0x8b: {  	s25 =	smov.u32 s29;
	[sflag:s16] =	ssyncadd.s32 $0xFFFFE000;
	s29 =	sadd.s32 s24, s30  }
0x8c: {  	[hbm4b:s29+s2] =	stream.linear.scatter [tilespmem:s12], [sflag:$0x2], $0x2000, $0x38;
	[tilespmem:$0x1CB20] =	vst v63  }
0x8d: {  	s30 =	sadd.s32 $0x400, s29  }
0x8e: {  	[hbm4b:s30+s2] =	stream.linear.scatter [tilespmem:s13], [sflag:$0x2], $0x2000, $0x38;
	[tilespmem:$0x1CB20] =	vst v63  }
0x8f: {  	s31 =	sadd.s32 $0x800, s29  }
0x90: {  	[hbm4b:s31+s2] =	stream.linear.scatter [tilespmem:s14], [sflag:$0x2], $0x2000, $0x38;
	[tilespmem:$0x1CB20] =	vst v63  }
0x91: {  	s29 =	sadd.s32 $0xC00, s29  }
0x92: {  	[hbm4b:s29+s2] =	stream.linear.scatter [tilespmem:s15], [sflag:$0x2], $0x2000, $0x38;
	[tilespmem:$0x1CB20] =	vst v63  }
0x93: {  	_ =	swait.ge [sflag:s17], $0x2000  }
0x94: {  	[sflag:s17] =	ssyncset.done $0x0  }
0x95: {  	[sflag:s17] =	ssyncadd.s32 $0xFFFFE000  }
0x96: {  	_ =	swait.ge [sflag:s17], $0x2000  }
0x97: {  	[sflag:s17] =	ssyncset.done $0x0  }
0x98: {  	[sflag:s17] =	ssyncadd.s32 $0xFFFFE000  }
0x99: {  	_ =	swait.ge [sflag:s17], $0x2000  }
0x9a: {  	[sflag:s17] =	ssyncset.done $0x0  }
0x9b: {  	[sflag:s17] =	ssyncadd.s32 $0xFFFFE000  }
0x9c: {  	_ =	swait.ge [sflag:s17], $0x2000  }
0x9d: {  	[sflag:s17] =	ssyncset.done $0x0  }
0x9e: {  	s31 =	sadd.s32 $0x200, s28;
	[sflag:s17] =	ssyncadd.s32 $0xFFFFE000  }
0x9f: {  	[tilespmem:s18], [sflag:$0x1] =	stream.indirect.gather [hbm4b:s3+s11], $0x40, s31, s11, $0xb8;
	[tilespmem:$0x1CB20] =	vst v63  }
0xa0: {  	s30 =	sadd.s32 $0x280, s28  }
0xa1: {  	[tilespmem:s19], [sflag:$0x1] =	stream.indirect.gather [hbm4b:s3+s11], $0x40, s30, s11, $0xb8;
	[tilespmem:$0x1CB20] =	vst v63  }
0xa2: {  	s31 =	sadd.s32 $0x300, s28  }
0xa3: {  	[tilespmem:s20], [sflag:$0x1] =	stream.indirect.gather [hbm4b:s3+s11], $0x40, s31, s11, $0xb8;
	[tilespmem:$0x1CB20] =	vst v63  }
0xa4: {  	s28 =	sadd.s32 $0x380, s28  }
0xa5: {  	[tilespmem:s21], [sflag:$0x1] =	stream.indirect.gather [hbm4b:s3+s11], $0x40, s28, s11, $0xb8;
	[tilespmem:$0x1CB20] =	vst v63  }
0xa6: {  	_ =	swait.ge [sflag:s16], $0x2000  }
0xa7: {  	[sflag:s16] =	ssyncset.done $0x0  }
0xa8: {  	[sflag:s16] =	ssyncadd.s32 $0xFFFFE000  }
0xa9: {  	_ =	swait.ge [sflag:s16], $0x2000  }
0xaa: {  	[sflag:s16] =	ssyncset.done $0x0  }
0xab: {  	[sflag:s16] =	ssyncadd.s32 $0xFFFFE000  }
0xac: {  	_ =	swait.ge [sflag:s16], $0x2000  }
0xad: {  	[sflag:s16] =	ssyncset.done $0x0  }
0xae: {  	[sflag:s16] =	ssyncadd.s32 $0xFFFFE000  }
0xaf: {  	_ =	swait.ge [sflag:s16], $0x2000  }
0xb0: {  	s26 =	sadd.s32 $0x1000, s26;
	s28 =	rddreg [dreg:$0x5];
	[sflag:s16] =	ssyncset.done $0x0  }
0xb1: {  	p2 =	sne.s32 s26, $0x19000;
	[sflag:s16] =	ssyncadd.s32 $0xFFFFE000;
	s28 =	sadd.s32 s24, s28  }
0xb2: {  	[hbm4b:s28+s2] =	stream.linear.scatter [tilespmem:s18], [sflag:$0x3], $0x2000, $0x38;
	[tilespmem:$0x1CB20] =	vst v63  }
.Ltmp0:
0xb3: {  	_ = 	snop;
	(pc) =	sbr.rel @p2 .LBB2_2-.Ltmp0, $4  }
0xb4: {  	p1 =	por p3, p3;
	s30 =	sadd.s32 $0x400, s28  }
0xb5: {  	[hbm4b:s30+s2] =	stream.linear.scatter [tilespmem:s19], [sflag:$0x3], $0x2000, $0x38;
	[tilespmem:$0x1CB20] =	vst v63  }
0xb6: {  	s24 =	sadd.s32 $0x2000, s24;
	s31 =	sadd.s32 $0x800, s28;
	s28 =	sadd.s32 $0xC00, s28  }
0xb7: {  	[hbm4b:s31+s2] =	stream.linear.scatter [tilespmem:s20], [sflag:$0x3], $0x2000, $0x38;
	[tilespmem:$0x1CB20] =	vst v63  }
0xb8: {  	[hbm4b:s28+s2] =	stream.linear.scatter [tilespmem:s21], [sflag:$0x3], $0x2000, $0x38;
	[tilespmem:$0x1CB20] =	vst v63  }
0xb9: {  	s26 =	simm.s32 @!p1 $0x3  }
0xba: {  	_ =	swait.ge @!p1 [sflag:s26], $0x2000  }
0xbb: {  	[sflag:s26] =	ssyncset.done @!p1 $0x0  }
0xbc: {  	[sflag:s26] =	ssyncadd.s32 @!p1 $0xFFFFE000  }
0xbd: {  	_ =	swait.ge @!p1 [sflag:s26], $0x2000  }
0xbe: {  	[sflag:s26] =	ssyncset.done @!p1 $0x0  }
0xbf: {  	[sflag:s26] =	ssyncadd.s32 @!p1 $0xFFFFE000  }
0xc0: {  	_ =	swait.ge @!p1 [sflag:s26], $0x2000  }
0xc1: {  	[sflag:s26] =	ssyncset.done @!p1 $0x0  }
0xc2: {  	[sflag:s26] =	ssyncadd.s32 @!p1 $0xFFFFE000  }
0xc3: {  	_ =	swait.ge @!p1 [sflag:s26], $0x2000  }
0xc4: {  	[sflag:s26] =	ssyncset.done @!p1 $0x0  }
0xc5: {  	s25 =	sshra.s32 s25, $0x2;
	[sflag:s26] =	ssyncadd.s32 @!p1 $0xFFFFE000  }
0xc6: {  	[tilespmem:s12], [sflag:$0x1] =	stream.indirect.gather [hbm4b:s3+s11], $0x40, s25, s11, $0xb8;
	[tilespmem:$0x1CB20] =	vst v63  }
0xc7: {  	s31 =	sadd.s32 $0x80, s25  }
0xc8: {  	[tilespmem:s13], [sflag:$0x1] =	stream.indirect.gather [hbm4b:s3+s11], $0x40, s31, s11, $0xb8;
	[tilespmem:$0x1CB20] =	vst v63  }
0xc9: {  	s28 =	sadd.s32 $0x100, s25  }
0xca: {  	[tilespmem:s14], [sflag:$0x1] =	stream.indirect.gather [hbm4b:s3+s11], $0x40, s28, s11, $0xb8;
	[tilespmem:$0x1CB20] =	vst v63  }
0xcb: {  	s29 =	sadd.s32 $0x180, s25  }
0xcc: {  	[tilespmem:s15], [sflag:$0x1] =	stream.indirect.gather [hbm4b:s3+s11], $0x40, s29, s11, $0xb8;
	[tilespmem:$0x1CB20] =	vst v63  }
0xcd: {  	_ =	swait.ge [sflag:s16], $0x2000  }
0xce: {  	[sflag:s16] =	ssyncset.done $0x0  }
0xcf: {  	[sflag:s16] =	ssyncadd.s32 $0xFFFFE000  }
0xd0: {  	_ =	swait.ge [sflag:s16], $0x2000  }
0xd1: {  	[sflag:s16] =	ssyncset.done $0x0  }
0xd2: {  	[sflag:s16] =	ssyncadd.s32 $0xFFFFE000  }
0xd3: {  	_ =	swait.ge [sflag:s16], $0x2000  }
0xd4: {  	[sflag:s16] =	ssyncset.done $0x0  }
0xd5: {  	[sflag:s16] =	ssyncadd.s32 $0xFFFFE000  }
0xd6: {  	_ =	swait.ge [sflag:s16], $0x2000  }
0xd7: {  	s30 =	rddreg [dreg:$0x4];
	[sflag:s16] =	ssyncset.done $0x0  }
0xd8: {  	[sflag:s16] =	ssyncadd.s32 $0xFFFFE000;
	s26 =	sadd.s32 s24, s30  }
0xd9: {  	[hbm4b:s26+s2] =	stream.linear.scatter [tilespmem:s12], [sflag:$0x2], $0x2000, $0x38;
	[tilespmem:$0x1CB20] =	vst v63  }
0xda: {  	s31 =	sadd.s32 $0x400, s26  }
0xdb: {  	[hbm4b:s31+s2] =	stream.linear.scatter [tilespmem:s13], [sflag:$0x2], $0x2000, $0x38;
	[tilespmem:$0x1CB20] =	vst v63  }
0xdc: {  	s29 =	sadd.s32 $0x800, s26  }
0xdd: {  	[hbm4b:s29+s2] =	stream.linear.scatter [tilespmem:s14], [sflag:$0x2], $0x2000, $0x38;
	[tilespmem:$0x1CB20] =	vst v63  }
0xde: {  	s26 =	sadd.s32 $0xC00, s26  }
0xdf: {  	[hbm4b:s26+s2] =	stream.linear.scatter [tilespmem:s15], [sflag:$0x2], $0x2000, $0x38;
	[tilespmem:$0x1CB20] =	vst v63  }
0xe0: {  	_ =	swait.ge [sflag:s17], $0x2000  }
0xe1: {  	[sflag:s17] =	ssyncset.done $0x0  }
0xe2: {  	[sflag:s17] =	ssyncadd.s32 $0xFFFFE000  }
0xe3: {  	_ =	swait.ge [sflag:s17], $0x2000  }
0xe4: {  	[sflag:s17] =	ssyncset.done $0x0  }
0xe5: {  	[sflag:s17] =	ssyncadd.s32 $0xFFFFE000  }
0xe6: {  	_ =	swait.ge [sflag:s17], $0x2000  }
0xe7: {  	[sflag:s17] =	ssyncset.done $0x0  }
0xe8: {  	[sflag:s17] =	ssyncadd.s32 $0xFFFFE000  }
0xe9: {  	_ =	swait.ge [sflag:s17], $0x2000  }
0xea: {  	[sflag:s17] =	ssyncset.done $0x0  }
0xeb: {  	s30 =	sadd.s32 $0x200, s25;
	[sflag:s17] =	ssyncadd.s32 $0xFFFFE000  }
0xec: {  	[tilespmem:s18], [sflag:$0x1] =	stream.indirect.gather [hbm4b:s3+s11], $0x40, s30, s11, $0xb8;
	[tilespmem:$0x1CB20] =	vst v63  }
0xed: {  	s31 =	sadd.s32 $0x280, s25  }
0xee: {  	[tilespmem:s19], [sflag:$0x1] =	stream.indirect.gather [hbm4b:s3+s11], $0x40, s31, s11, $0xb8;
	[tilespmem:$0x1CB20] =	vst v63  }
0xef: {  	s28 =	sadd.s32 $0x300, s25  }
0xf0: {  	[tilespmem:s20], [sflag:$0x1] =	stream.indirect.gather [hbm4b:s3+s11], $0x40, s28, s11, $0xb8;
	[tilespmem:$0x1CB20] =	vst v63  }
0xf1: {  	s25 =	sadd.s32 $0x380, s25  }
0xf2: {  	[tilespmem:s21], [sflag:$0x1] =	stream.indirect.gather [hbm4b:s3+s11], $0x40, s25, s11, $0xb8;
	[tilespmem:$0x1CB20] =	vst v63  }
0xf3: {  	_ =	swait.ge [sflag:s16], $0x2000  }
0xf4: {  	[sflag:s16] =	ssyncset.done $0x0  }
0xf5: {  	[sflag:s16] =	ssyncadd.s32 $0xFFFFE000  }
0xf6: {  	_ =	swait.ge [sflag:s16], $0x2000  }
0xf7: {  	[sflag:s16] =	ssyncset.done $0x0  }
0xf8: {  	[sflag:s16] =	ssyncadd.s32 $0xFFFFE000  }
0xf9: {  	_ =	swait.ge [sflag:s16], $0x2000  }
0xfa: {  	[sflag:s16] =	ssyncset.done $0x0  }
0xfb: {  	[sflag:s16] =	ssyncadd.s32 $0xFFFFE000  }
0xfc: {  	_ =	swait.ge [sflag:s16], $0x2000  }
0xfd: {  	s29 =	rddreg [dreg:$0x5];
	[sflag:s16] =	ssyncset.done $0x0  }
0xfe: {  	[sflag:s16] =	ssyncadd.s32 $0xFFFFE000;
	s30 =	sadd.s32 s24, s29  }
0xff: {  	[hbm4b:s30+s2] =	stream.linear.scatter [tilespmem:s18], [sflag:$0x3], $0x2000, $0x38;
	[tilespmem:$0x1CB20] =	vst v63  }
0x100: {  	s25 =	sadd.s32 $0x400, s30  }
0x101: {  	[hbm4b:s25+s2] =	stream.linear.scatter [tilespmem:s19], [sflag:$0x3], $0x2000, $0x38;
	[tilespmem:$0x1CB20] =	vst v63  }
0x102: {  	s31 =	sadd.s32 $0x800, s30  }
0x103: {  	[hbm4b:s31+s2] =	stream.linear.scatter [tilespmem:s20], [sflag:$0x3], $0x2000, $0x38;
	[tilespmem:$0x1CB20] =	vst v63  }
0x104: {  	s24 =	sadd.s32 $0xC00, s30  }
0x105: {  	[hbm4b:s24+s2] =	stream.linear.scatter [tilespmem:s21], [sflag:$0x3], $0x2000, $0x38;
	[tilespmem:$0x1CB20] =	vst v63  }
0x106: {  	_ =	swait.ge [sflag:s22], $0x2000  }
0x107: {  	[sflag:s22] =	ssyncset.done $0x0  }
0x108: {  	[sflag:s22] =	ssyncadd.s32 $0xFFFFE000  }
0x109: {  	_ =	swait.ge [sflag:s22], $0x2000  }
0x10a: {  	[sflag:s22] =	ssyncset.done $0x0  }
0x10b: {  	s23 =	sadd.s32 $0x1, s23;
	[sflag:s22] =	ssyncadd.s32 $0xFFFFE000  }
0x10c: {  	p1 =	sne.s32 s23, s7;
	_ =	swait.ge [sflag:s22], $0x2000  }
.Ltmp1:
0x10d: {  	[sflag:s22] =	ssyncset.done $0x0;
	(pc) =	sbr.rel @p1 .LBB2_1-.Ltmp1, $4  }
0x10e: {  	[sflag:s22] =	ssyncadd.s32 $0xFFFFE000  }
0x10f: {  	_ =	swait.ge [sflag:s22], $0x2000  }
0x110: {  	[sflag:s22] =	ssyncset.done $0x0  }
0x111: {  	[sflag:s22] =	ssyncadd.s32 $0xFFFFE000  }
0x112: {  	_ =	sfence.sel $0x180000  }
0x113: {  	[bflag:$0x0] =	sbarrier.arrive $0xFFFF  }
0x114: {  	_ =	strace $0x90000047  }
0x115: {  	s0 =	sadd.s32 @!p0 $0x100000, s0;
	[bflag:$0x2] =	sbarrier.arrive $0xFFFF  }
0x116: {  	[sflag:s0] =	ssyncadd.tile.s32 @!p0 $0x1;
	_ =	shalt  }
.Lfunc_end2:
_tile_overlayer_lowered:
.L_overlay_start_2:
0x117: {  	(tag) =	ssettag $0x2  }
0x118: {  	s0 =	rddreg [dreg:$0x0];
	s2 =	stileid.u32  }
0x119: {  	s1 =	rddreg [dreg:$0x1];
	p0 =	sne.s32 s2, $0x0  }
0x11a: {  	s3 =	rddreg [dreg:$0x2];
	[bflag:$0x3] =	sbarrier.arrive $0xFFFF;
	s2 =	simm.s32 @!p0 $0x1C04  }
0x11b: {  	[timem:s3], [sflag:s2] =	dma.local @!p0 [hbm:s0], s1  }
0x11c: {  	s0 =	simm.s32 @!p0 $0x4  }
0x11d: {  	_ =	swait.ge @!p0 [sflag:s0], s1  }
0x11e: {  	s1 =	ssub.s32 @!p0 $0x0, s1;
	[sflag:s0] =	ssyncset.done @!p0 $0x0  }
0x11f: {  	[sflag:s0] =	ssyncadd.s32 @!p0 s1  }
0x120: {  	[bflag:$0x3] =	sbarrier.arrive $0xFFFF  }
0x121: {  	_ =	shalt  }

// kernel: sparse-core-data-format-call.cloned.1.call-start
scs
called_computation_lowered:
.L_overlay_start_0:
0x0: {  	s2 =	sld [smem:$0x3FD9]  }
0x1: {  	s3 =	sld [smem:$0x3FFE];
	_ =	sdelay $0x1  }
0x2: {  	s1 =	srdreg.scid  }
0x3: {  	s0 =	sand.u32 $0x1, s1  }
0x4: {  	s18 =	sshll.u32 s0, $0xA;
	s2 =	sadd.s32 s3, s2  }
0x5: {  	s2 =	sadd.s32 s2, s18  }
0x6: {  	[smem:$0x3FC4] =	sst s2  }
0x7: {  	_ = 	snop  }
0x8: {  	s2 =	sld [smem:$0x3FD0];
	(tm) =	ssettm $0x1  }
0x9: {  	s19 =	sld [smem:$0x3FFB];
	_ =	sdelay $0x3  }
0xa: {  	_ =	strace s19  }
0xb: {  	s3 =	sld [smem:$0x3FFC];
	_ =	sdelay $0x3  }
0xc: {  	_ =	strace s3  }
0xd: {  	s3 =	sld [smem:$0x3FFD];
	_ =	sdelay $0x3  }
0xe: {  	_ =	strace s3  }
0xf: {  	_ =	strace $0x8FFFFFFF  }
0x10: {  	s20 =	sld [smem:$0x3FDB];
	_ =	sdelay $0x1  }
0x11: {  	s4 =	simm.s32 $_scs_section_size  }
0x12: {  	s5 =	simm.s32 $_size__tile_overlayer_lowered;
	s6 =	simm.s32 $_tile_overlayer_lowered  }
0x13: {  	s23 =	simm.s32 $0x1BFF;
	s22 =	sshll.u32 s6, $0x1;
	s3 =	sadd.s32 s4, s20  }
0x14: {  	s7 =	simm.s32 $0x0;
	s21 =	sshll.u32 s5, $0x1;
	s5 =	sadd.s32 s22, s3  }
0x15: {  	[timem:s7], [sflag:s23] =	dma.local [hbm:s5], s21  }
0x16: {  	_ =	swait.ge [sflag:s23], s21  }
0x17: {  	s4 =	ssub.s32 $0x0, s21;
	[sflag:s23] =	ssyncset.done $0x0  }
0x18: {  	[sflag:s23] =	ssyncadd.s32 s4;
	_ =	sdelay $0x1  }
0x19: {  	s24 =	simm.s32 $0x1B8B  }
0x1a: {  	_ =	swait.ge [sflag:s24], $0x1  }
0x1b: {  	[sflag:s24] =	ssyncset.done $0x0  }
0x1c: {  	s26 =	simm.s32 $0x1B8E;
	s25 =	sld [smem:$0x3FFE];
	[sflag:s24] =	ssyncadd.s32 $0xFFFFFFFF  }
0x1d: {  	s27 =	simm.s32 $execute0_lowered;
	[smem:$0x3FD2] =	sst s26  }
0x1e: {  	s5 =	sshll.u32 s27, $0x1;
	_ =	strace $0x80000049;
	[dreg:$0x1] =	wrdreg $0xFFFFFFFF  }
0x1f: {  	s28 =	simm.s32 $_size_execute0_lowered;
	s3 =	sadd.s32 s3, s5;
	[dreg:$0x0] =	wrdreg $0x0  }
0x20: {  	s5 =	sshll.u32 s28, $0x1;
	[dreg:$0x2] =	wrdreg s3  }
0x21: {  	[dreg:$0x3] =	wrdreg s5  }
0x22: {  	[dreg:$0x4] =	wrdreg $0xC0  }
0x23: {  	_ =	task [dreg:s7], $0x5FFFF  }
0x24: {  	[dreg:$0x1] =	wrdreg $0xFFFFFFFF  }
0x25: {  	[dreg:$0x0] =	wrdreg $0x60  }
0x26: {  	[dreg:$0x2] =	wrdreg s25  }
0x27: {  	[dreg:$0x3] =	wrdreg s2  }
0x28: {  	[dreg:$0x4] =	wrdreg $0x9  }
0x29: {  	_ =	task.clear_ibuf [dreg:s7], $0x5FFFF;
	_ =	strace $0x90000049  }
0x2a: {  	s29 =	simm.s32 $0x9;
	_ =	strace $0x8000004B  }
0x2b: {  	_ =	swait.ge [sflag:s29], $0x1  }
0x2c: {  	[sflag:s29] =	ssyncadd.s32 $0xFFFFFFFF  }
0x2d: {  	_ =	strace $0x9000004B  }
0x2e: {  	_ =	sfence  }
0x2f: {  	s30 =	sld [smem:$0x0];
	_ =	sdelay $0x2  }
0x30: {  	s31 =	sshll.u32 s1, $0xD;
	s1 =	sshrl.u32 s1, $0x2  }
0x31: {  	s3 =	sand.u32 $0x4000, s31;
	s1 =	sadd.s32 s1, s30  }
0x32: {  	s0 =	sor.u32 s3, s0;
	s1 =	sshll.u32 s1, $0x11  }
0x33: {  	s0 =	sor.u32 s1, s0  }
0x34: {  	s0 =	sadd.s32 $0x8F2B, s0  }
0x35: {  	[sflag:s0] =	ssyncadd.remote.s32 $0x1  }
0x36: {  	_ =	sfence.sel $0xFFFF  }
0x37: {  	[dreg:$0x0] =	wrdreg $0xFFFFFFFF;
	(pc) =	sbr.abs _section_cstart, $3  }
0x38: {  	[dreg:$0x1] =	wrdreg $0xFFFFFFFF  }
0x39: {  	_ =	task.clear_ibuf [dreg:s7], $0x2FFFF;
	_ =	strace $0x9FFFFFFF  }
0x3a: {  	(tm) =	ssettm $0x7FFFFFFF  }
0x3b: {  	_ =	shalt  }
tec
execute0_lowered:
.L_overlay_start_1:
0x0: {  	(tag) =	ssettag $0x1  }
0x1: {  	s0 =	srdreg.scid  }
0x2: {  	s1 =	sshll.u32 s0, $0x4  }
0x3: {  	s0 =	stileid.u32;
	s1 =	sand.u32 $0x10, s1  }
0x4: {  	s1 =	sor.u32 s0, s1  }
0x5: {  	s6 =	rddreg [dreg:$0x0];
	s4 =	simm.s32 $0x1;
	s2 =	sshll.u32 s1, $0x7  }
0x6: {  	s7 =	simm.s32 $0x2;
	s12 =	simm.s32 $0x0;
	s1 =	ssub.s32 $0x1000, s2  }
0x7: {  	s8 =	simm.s32 $0x8000;
	s13 =	simm.s32 $0x0;
	s3 =	sand.u32 $0xF80, s1  }
0x8: {  	s9 =	simm.s32 $0x0;
	s5 =	sshrl.u32 s1, $0xC;
	p0 =	sne.s32 s3, $0x0  }
.Ltmp0:
0x9: {  	s1 =	rddreg [dreg:$0x2];
	s4 =	simm.s32 @!p0 $0x0;
	(pc) =	sbr.rel .LBB1_1-.Ltmp0, $4  }
0xa: {  	s11 =	simm.s32 $0x0;
	s3 =	rddreg [dreg:$0x1];
	s5 =	sadd.s32 s4, s5  }
0xb: {  	_ =	strace $0x8000004A;
	s4 =	simm.s32 $0x1;
	s5 =	smul.u32 $0xC8, s5  }
0xc: {  	s6 =	sadd.s32 $0xA00, s6;
	s10 =	smov.u32 s2;
	[sflag:s4] =	ssyncpa.u1 $0x0  }
0xd: {  	p0 =	por $0x0, $0x0;
	[sflag:s7] =	ssyncpa.u1 $0x0;
	s7 =	sor.u32 $0x1, s5  }
.LBB1_4:
0xe: {  	s16 =	sshll.u32 s13, $0x3;
	s17 =	sand.u32 $0x78, s13  }
0xf: {  	s30 =	sand.u32 $0x7E00, s13;
	s12 =	sshll.u32 s12, $0xF;
	s16 =	sand.u32 $0xC00, s16  }
0x10: {  	[tilespmem:s15+$0x810 ss:$0x81] =	vst.msk $0xffff, v2;
	s31 =	sand.u32 $0x7, s13;
	s16 =	sor.u32 s17, s16;
	s17 =	sadd.s32 s3, s30  }
0x11: {  	[tilespmem:s15+$0x1020 ss:$0x81] =	vst.msk $0xffff, v0;
	s13 =	sshll.u32 s31, $0x12;
	s12 =	sadd.s32 s12, s17;
	s16 =	sshrl.u32 s16, $0x3  }
0x12: {  	[tilespmem:s15+$0x0 ss:$0x81] =	vst.msk $0xffff, v1;
	s13 =	sor.u32 $0x400, s13;
	s12 =	sadd.s32 s16, s12  }
0x13: {  	[hbm4b:s12+s13] =	stream.strided.scatter [tilespmem:s14], [sflag:$0x2], $0x2000, s8, s13, $0x20;
	[tilespmem:$0x8080] =	vst v63  }
.LBB1_5:
0x14: {  	s14 =	sadd.s32 $0x1, s9  }
0x15: {  	s12 =	sadd.s32 $0x1000, s10;
	s16 =	smov.u32 s10;
	p2 =	sgt.s32 s14, $0xC7  }
0x16: {  	s16 =	smov.u32 @p2 s12  }
0x17: {  	s14 =	simm.s32 @p2 $0x0;
	p2 =	sgt.s32 s16, $0xFFF  }
0x18: {  	s16 =	smov.u32 @p2 s2;
	p2 =	sne.s32 s11, s7  }
.Ltmp1:
0x19: {  	p1 =	slt.u32 s11, $0x2;
	(pc) =	sbr.rel @!p2 .LBB1_6-.Ltmp1, $4  }
0x1a: {  	s15 =	simm.s32 @!p1 $0x2  }
0x1b: {  	s13 =	smov.u32 s10;
	p0 =	por !p0, !p0;
	_ =	swait.ge @!p1 [sflag:s15], $0x2000  }
0x1c: {  	s12 =	smov.u32 s9;
	[sflag:s15] =	ssyncset.done @!p1 $0x0;
	s9 =	smov.u32 s14  }
0x1d: {  	s11 =	sadd.s32 $0x1, s11;
	[sflag:s15] =	ssyncadd.s32 @!p1 $0xFFFFE000;
	s10 =	smov.u32 s16  }
.LBB1_1:
0x1e: {  	p1 =	sge.u32 s11, s5  }
0x1f: {  	s14 =	sand.u32 @!p1 $0x1FFFFFF, s9  }
0x20: {  	s15 =	smulhi.u32 @!p1 $0x147AE15, s14;
	_ =	sdelay $0x1  }
0x21: {  	s15 =	smul.u32 @!p1 $0xC8, s15  }
0x22: {  	s16 =	sxor.u32 @!p1 $0xFFFFFFFF, s11;
	s17 =	smul.u32 @!p1 $0xC80, s10  }
0x23: {  	s31 =	sadd.s32 $0xFFFFFFFF, s11;
	s16 =	sshll.u32 @!p1 s16, $0xD;
	s14 =	ssub.s32 @!p1 s14, s15  }
0x24: {  	s15 =	sand.u32 @!p1 $0x2000, s16;
	s16 =	sadd.s32 @!p1 s6, s17;
	s14 =	sshll.u32 @!p1 s14, $0x4  }
0x25: {  	s17 =	simm.s32 @!p1 $0x6400;
	s14 =	sadd.s32 @!p1 s14, s16;
	s16 =	simm.s32 @!p1 $0x40  }
0x26: {  	[tilespmem:s15], [sflag:$0x1] =	stream.strided.gather @!p1 [hbm4b:s14+s16], $0x2000, s17, s16, $0x38;
	[tilespmem:$0x8080] =	vst v63  }
0x27: {  	p1 =	sge.u32 s31, s5  }
.Ltmp2:
0x28: {  	_ = 	snop;
	(pc) =	sbr.rel @p1 .LBB1_5-.Ltmp2, $1  }
0x29: {  	_ =	sdelay $0x3  }
0x2a: {  	s14 =	simm.s32 $0x1  }
0x2b: {  	_ =	swait.ge [sflag:s4], $0x2000;
	s14 =	simm.s32 @!p0 $0x0  }
0x2c: {  	[sflag:s4] =	ssyncset.done $0x0;
	s15 =	sshll.u32 s14, $0xD  }
0x2d: {  	[sflag:s4] =	ssyncadd.s32 $0xFFFFE000;
	s18 =	sor.u32 $0x20, s15  }
0x2e: {  	s14 =	smul.u32 $0x8100, s14;
	v3 =	vld [tilespmem:s18+$0x10]  }
0x2f: {  	s30 =	sand.u32 $0x1, s11;
	v2 =	vld [tilespmem:s18+$0xFFFFFFF0]  }
0x30: {  	s15 =	smul.u32 $0x8100, s30;
	s14 =	sshrl.u32 s14, $0x2;
	v0 =	vld [tilespmem:s18+$0x0]  }
0x31: {  	v1 =	vld [tilespmem:s18+$0xFFFFFFE0];
	s16 =	sor.u32 $0x4000, s14  }
0x32: {  	s31 =	sshrl.u32 s15, $0x2;
	s15 =	sadd.s32 $0x0, s16  }
0x33: {  	s17 =	simm.s32 $0x4;
	s18 =	sadd.s32 $0x40, s18;
	s14 =	sor.u32 $0x4000, s31;
	[tilespmem:s15+$0x1830 ss:$0x81] =	vst.msk $0xffff, v3  }
.LBB1_3:
0x34: {  	v3 =	vld [tilespmem:s18+$0x10];
	p1 =	sne.s32 s17, $0x1FC;
	[tilespmem:s15+$0x810 ss:$0x81] =	vst.msk $0xffff, v2;
	s19 =	smov.u32 s17;
	s17 =	sadd.s32 $0x4, s17  }
.Ltmp3:
0x35: {  	v2 =	vld [tilespmem:s18+$0xFFFFFFF0];
	[tilespmem:s15+$0x1020 ss:$0x81] =	vst.msk $0xffff, v0;
	(pc) =	sbr.rel @p1 .LBB1_3-.Ltmp3, $4  }
0x36: {  	v0 =	vld [tilespmem:s18+$0x0];
	[tilespmem:s15+$0x0 ss:$0x81] =	vst.msk $0xffff, v1  }
0x37: {  	s15 =	sshra.s32 s19, $0x2;
	v1 =	vld [tilespmem:s18+$0xFFFFFFE0]  }
0x38: {  	s15 =	sadd.s32 s15, s16  }
0x39: {  	s18 =	sadd.s32 $0x40, s18;
	[tilespmem:s15+$0x1830 ss:$0x81] =	vst.msk $0xffff, v3  }
.Ltmp4:
0x3a: {  	_ = 	snop;
	(pc) =	sbr.rel .LBB1_4-.Ltmp4, $1  }
0x3b: {  	_ =	sdelay $0x3  }
.LBB1_6:
0x3c: {  	_ =	sfence.sel $0x180000  }
0x3d: {  	s2 =	simm.s32 $0x1;
	[bflag:$0x0] =	sbarrier.arrive $0xFFFF  }
0x3e: {  	s31 =	simm.s32 $0x2;
	[sflag:s2] =	ssyncpa.u1 $0x1  }
0x3f: {  	[sflag:s31] =	ssyncpa.u1 $0x1  }
0x40: {  	p0 =	sne.s32 s0, $0x0;
	_ =	strace $0x9000004A  }
0x41: {  	s0 =	sadd.s32 @!p0 $0x100000, s1;
	[bflag:$0x2] =	sbarrier.arrive $0xFFFF  }
0x42: {  	[sflag:s0] =	ssyncadd.tile.s32 @!p0 $0x1;
	_ =	shalt  }
.Lfunc_end1:
_tile_overlayer_lowered:
.L_overlay_start_2:
0x43: {  	(tag) =	ssettag $0x2  }
0x44: {  	s0 =	rddreg [dreg:$0x0];
	s2 =	stileid.u32  }
0x45: {  	s1 =	rddreg [dreg:$0x1];
	p0 =	sne.s32 s2, $0x0  }
0x46: {  	s3 =	rddreg [dreg:$0x2];
	[bflag:$0x3] =	sbarrier.arrive $0xFFFF;
	s2 =	simm.s32 @!p0 $0x1C01  }
0x47: {  	[timem:s3], [sflag:s2] =	dma.local @!p0 [hbm:s0], s1  }
0x48: {  	s0 =	simm.s32 @!p0 $0x1  }
0x49: {  	_ =	swait.ge @!p0 [sflag:s0], s1  }
0x4a: {  	s1 =	ssub.s32 @!p0 $0x0, s1;
	[sflag:s0] =	ssyncset.done @!p0 $0x0  }
0x4b: {  	[sflag:s0] =	ssyncadd.s32 @!p0 s1  }
0x4c: {  	[bflag:$0x3] =	sbarrier.arrive $0xFFFF  }
0x4d: {  	_ =	shalt  }

</sc_bundles>
